<compile_context>
chip_gen: v7x
topology: tpu7x:2x2x1
jax: 0.10.2.dev20260603
libtpu: 0.0.44.dev20260713+nightly
codegen_flags: <defaults>
</compile_context>

<pallas_src>
import functools

import jax
import jax.numpy as jnp
from jax import lax
from jax.experimental import pallas as pl
from jax.experimental.pallas import tpu as pltpu
from jax.experimental.pallas import tpu_sc as plsc

_N_ATOMS = 16384
_EMB = 256
_N_MOL = 16

_TILE = 4096

_NS = 16
_CHUNK = _N_ATOMS // _NS
_L = 16


_NG = 16


def _mlp_body(e_ref, w1_ref, b1_ref, w2f_ref, b2_ref, out_ref):
    h = jnp.dot(e_ref[...], w1_ref[...], preferred_element_type=jnp.float32)
    h = h + b1_ref[...]
    h = h * jax.nn.sigmoid(h)
    grp = lax.broadcasted_iota(jnp.int32, (_EMB, _NG), 0) // (_EMB // _NG)
    col = lax.broadcasted_iota(jnp.int32, (_EMB, _NG), 1)
    w2f = jnp.where(grp == col, w2f_ref[...], 0.0)
    s16 = jnp.dot(h, w2f, preferred_element_type=jnp.float32)
    out_ref[...] = jnp.sum(s16.T, axis=0) + b2_ref[0]


def _mlp_scalars(energy, w1, b1_row, w2_row, b2):
    grid = _N_ATOMS // _TILE
    return pl.pallas_call(
        _mlp_body,
        grid=(grid,),
        in_specs=[
            pl.BlockSpec((_TILE, _EMB), lambda i: (i, 0)),
            pl.BlockSpec((_EMB, _EMB), lambda i: (0, 0)),
            pl.BlockSpec((1, _EMB), lambda i: (0, 0)),
            pl.BlockSpec((_EMB, 1), lambda i: (0, 0)),
            pl.BlockSpec(memory_space=pltpu.SMEM),
        ],
        out_specs=pl.BlockSpec((_TILE,), lambda i: (i,)),
        out_shape=jax.ShapeDtypeStruct((_N_ATOMS,), jnp.float32),
    )(energy, w1, b1_row, w2_row, b2)


def _segsum_body(vals_hbm, ids_hbm, part_hbm, out_hbm, vals_v, ids_v, acc_v,
                 part_v, sem_a, sem_b):
    c = lax.axis_index("c")
    s = lax.axis_index("s")

    @pl.when(c == 0)
    def _():
        base = s * _CHUNK
        cp_a = pltpu.async_copy(vals_hbm.at[pl.ds(base, _CHUNK)], vals_v, sem_a)
        cp_b = pltpu.async_copy(ids_hbm.at[pl.ds(base, _CHUNK)], ids_v, sem_b)
        acc_v[...] = jnp.zeros((_L,), jnp.float32)
        cp_a.wait()
        cp_b.wait()

        for i in range(_CHUNK // _L):
            v = vals_v[pl.ds(i * _L, _L)]
            d = ids_v[pl.ds(i * _L, _L)]
            plsc.addupdate_scatter(acc_v, [d], v)

        pltpu.sync_copy(acc_v, part_hbm.at[s])

    plsc.subcore_barrier()

    @pl.when((c == 0) & (s == 0))
    def _():
        pltpu.sync_copy(part_hbm, part_v)
        tot = part_v[0]
        for r in range(1, _NS):
            tot = tot + part_v[r]
        acc_v[...] = tot
        pltpu.sync_copy(acc_v, out_hbm)


def _segment_sum_sc(vals, ids):
    mesh = plsc.VectorSubcoreMesh(core_axis_name="c", subcore_axis_name="s",
                                  num_cores=1)
    part, out = pl.kernel(
        _segsum_body,
        out_type=(
            jax.ShapeDtypeStruct((_NS, _L), jnp.float32),
            jax.ShapeDtypeStruct((_N_MOL,), jnp.float32),
        ),
        mesh=mesh,
        compiler_params=pltpu.CompilerParams(needs_layout_passes=False),
        scratch_types=[
            pltpu.VMEM((_CHUNK,), jnp.float32),
            pltpu.VMEM((_CHUNK,), jnp.int32),
            pltpu.VMEM((_L,), jnp.float32),
            pltpu.VMEM((_NS, _L), jnp.float32),
            pltpu.SemaphoreType.DMA,
            pltpu.SemaphoreType.DMA,
        ],
    )(vals, ids)
    del part
    return out


def kernel(energy, batch, W1, b1, W2, b2):
    b1_row = b1.reshape(1, _EMB)
    out_atoms = _mlp_scalars(energy, W1, b1_row, W2, b2)
    ids = batch.astype(jnp.int32)
    return _segment_sum_sc(out_atoms, ids)

# --- scband reference (transcript-rebuilt; emitter-appended) ---
"""Pipeline reference for scband-graph-scalar-output-head-9363028705430 (READ-ONLY COPY).

The authoritative reference and input builder live on the scoring server;
editing this copy changes nothing except your own understanding.
"""

import jax, jax.numpy as jnp
import numpy as np

N_ATOMS = 16384
EMB = 256
N_MOL = 16


def setup_inputs(seed: int = 0) -> dict:
    key = jax.random.key(seed)
    k1, k2, k3, k4 = jax.random.split(key, 4)
    energy = jax.random.normal(k1, (N_ATOMS, EMB), dtype=jnp.float32)
    batch = jnp.sort(jax.random.randint(k2, (N_ATOMS,), 0, N_MOL).astype(jnp.int64))
    # MLP params: dims [emb_size_atom]*num_mlps + [num_targets] = [256, 256, 1]
    W1 = jax.random.normal(k3, (EMB, EMB), dtype=jnp.float32) * (1.0 / np.sqrt(EMB))
    b1 = jnp.zeros((EMB,), dtype=jnp.float32)
    W2 = jax.random.normal(k4, (EMB, 1), dtype=jnp.float32) * (1.0 / np.sqrt(EMB))
    b2 = jnp.zeros((1,), dtype=jnp.float32)
    return {"energy": energy, "batch": batch, "W1": W1, "b1": b1, "W2": W2, "b2": b2}


def reference(energy, batch, W1, b1, W2, b2):
    # n_molecules = max(batch) + 1; batch is drawn uniformly over [0, N_MOL)
    # across N_ATOMS samples, so the segment count is the static N_MOL.
    n_molecules = N_MOL
    # out_mlp: Linear -> SiLU -> Linear (final layer has no activation)
    h = jnp.dot(energy, W1) + b1
    h = jax.nn.silu(h)
    out = jnp.dot(h, W2) + b2  # [N_ATOMS, 1]
    # scatter(..., reduce='sum') over molecule ids
    pooled = jax.ops.segment_sum(out, batch, num_segments=n_molecules)  # [n_mol, 1]
    # rearrange 'b 1 -> b'
    return pooled[:, 0]

if __name__ == "__main__":
    import jax
    _d = setup_inputs()
    print(jax.jit(kernel)(*tuple(_d.values())))

</pallas_src>

<mosaic_0001>
#map = affine_map<(d0, d1) -> (0)>
#map1 = affine_map<(d0, d1) -> (0, 0)>
module attributes {stable_mosaic.version = 14 : i64} {
  func.func @_segsum_body(%arg0: i32, %arg1: i32, %arg2: memref<16384xf32, #tpu.memory_space<hbm>>, %arg3: memref<16384xi32, #tpu.memory_space<hbm>>, %arg4: memref<16x16xf32, #tpu.memory_space<hbm>>, %arg5: memref<16xf32, #tpu.memory_space<hbm>>, %arg6: memref<1024xf32, #tpu.memory_space<vmem>>, %arg7: memref<1024xi32, #tpu.memory_space<vmem>>, %arg8: memref<16xf32, #tpu.memory_space<vmem>>, %arg9: memref<16x16xf32, #tpu.memory_space<vmem>>, %arg10: memref<!tpu.dma_semaphore, #tpu.memory_space<semaphore_mem>>, %arg11: memref<!tpu.dma_semaphore, #tpu.memory_space<semaphore_mem>>) attributes {dimension_semantics = [#tpu.dimension_semantics<core_parallel>, #tpu.dimension_semantics<subcore_parallel>], iteration_bounds = array<i64: 1, 16>, scalar_prefetch = 0 : i64, scratch_operands = 6 : i64, tpu.core_type = #tpu.core_type<sc_vector_subcore>, window_params = [{transform_indices = #map}, {transform_indices = #map}, {transform_indices = #map1}, {transform_indices = #map}]} {
    %eq3A = arith.constant 0 : i32
    %eq3A_0 = arith.cmpi eq, %arg0, %eq3A : i32
    %convert_element_type3A = arith.extui %eq3A_0 : i1 to i32
    %cond3A = arith.constant 0 : i32
    %cond3A_1 = arith.cmpi ne, %convert_element_type3A, %cond3A : i32
    scf.if %cond3A_1 {
      %mul3A = arith.constant 1024 : i32
      %mul3A_9 = arith.muli %arg1, %mul3A : i32
      %dma_start3A = tpu.memref_slice %arg2[%mul3A_9] : memref<16384xf32, #tpu.memory_space<hbm>> -> memref<1024xf32, #tpu.memory_space<hbm>>
      %dma_start3A_10 = tpu.memref_slice %arg2[%mul3A_9] : memref<16384xf32, #tpu.memory_space<hbm>> -> memref<1024xf32, #tpu.memory_space<hbm>>
      tpu.enqueue_dma source(%dma_start3A_10 : memref<1024xf32, #tpu.memory_space<hbm>>) target(%arg6 : memref<1024xf32, #tpu.memory_space<vmem>>) target_semaphore(%arg10 : memref<!tpu.dma_semaphore, #tpu.memory_space<semaphore_mem>>)
      %dma_start3A_11 = tpu.memref_slice %arg3[%mul3A_9] : memref<16384xi32, #tpu.memory_space<hbm>> -> memref<1024xi32, #tpu.memory_space<hbm>>
      %dma_start3A_12 = tpu.memref_slice %arg3[%mul3A_9] : memref<16384xi32, #tpu.memory_space<hbm>> -> memref<1024xi32, #tpu.memory_space<hbm>>
      tpu.enqueue_dma source(%dma_start3A_12 : memref<1024xi32, #tpu.memory_space<hbm>>) target(%arg7 : memref<1024xi32, #tpu.memory_space<vmem>>) target_semaphore(%arg11 : memref<!tpu.dma_semaphore, #tpu.memory_space<semaphore_mem>>)
      %broadcast_in_dim3A = arith.constant 0.000000e+00 : f32
      %broadcast_in_dim3A_13 = vector.broadcast %broadcast_in_dim3A : f32 to vector<16xf32>
      %swap3A = arith.constant 0 : index
      %swap3A_14 = tpu.vector_load %arg8[%swap3A] {strides = array<i32>} : memref<16xf32, #tpu.memory_space<vmem>>, vector<16xf32>,
      tpu.vector_store %arg8[%swap3A], %broadcast_in_dim3A_13 {strides = array<i32>} : memref<16xf32, #tpu.memory_space<vmem>>, vector<16xf32>,
      %dma_wait3A = tpu.memref_slice %arg2[%mul3A_9] : memref<16384xf32, #tpu.memory_space<hbm>> -> memref<1024xf32, #tpu.memory_space<hbm>>
      %dma_wait3A_15 = tpu.memref_slice %arg2[%mul3A_9] : memref<16384xf32, #tpu.memory_space<hbm>> -> memref<1024xf32, #tpu.memory_space<hbm>>
      tpu.wait_dma2 semaphore(%arg10 : memref<!tpu.dma_semaphore, #tpu.memory_space<semaphore_mem>>) src(%dma_wait3A_15 : memref<1024xf32, #tpu.memory_space<hbm>>) dst(%arg6 : memref<1024xf32, #tpu.memory_space<vmem>>)
      %dma_wait3A_16 = tpu.memref_slice %arg3[%mul3A_9] : memref<16384xi32, #tpu.memory_space<hbm>> -> memref<1024xi32, #tpu.memory_space<hbm>>
      %dma_wait3A_17 = tpu.memref_slice %arg3[%mul3A_9] : memref<16384xi32, #tpu.memory_space<hbm>> -> memref<1024xi32, #tpu.memory_space<hbm>>
      tpu.wait_dma2 semaphore(%arg11 : memref<!tpu.dma_semaphore, #tpu.memory_space<semaphore_mem>>) src(%dma_wait3A_17 : memref<1024xi32, #tpu.memory_space<hbm>>) dst(%arg7 : memref<1024xi32, #tpu.memory_space<vmem>>)
      %get3A = arith.constant 0 : index
      %get3A_18 = tpu.vector_load %arg6[%get3A] {strides = array<i32>} : memref<1024xf32, #tpu.memory_space<vmem>>, vector<16xf32>,
      %get3A_19 = arith.constant 0 : index
      %get3A_20 = tpu.vector_load %arg7[%get3A_19] {strides = array<i32>} : memref<1024xi32, #tpu.memory_space<vmem>>, vector<16xi32>,
      tpu.vector_store_idx %arg8[%get3A_20], %get3A_18 {add = true} : memref<16xf32, #tpu.memory_space<vmem>>[vector<16xi32>], vector<16xf32>,
      %get3A_21 = arith.constant 16 : index
      %get3A_22 = tpu.vector_load %arg6[%get3A_21] {strides = array<i32>} : memref<1024xf32, #tpu.memory_space<vmem>>, vector<16xf32>,
      %get3A_23 = arith.constant 16 : index
      %get3A_24 = tpu.vector_load %arg7[%get3A_23] {strides = array<i32>} : memref<1024xi32, #tpu.memory_space<vmem>>, vector<16xi32>,
      tpu.vector_store_idx %arg8[%get3A_24], %get3A_22 {add = true} : memref<16xf32, #tpu.memory_space<vmem>>[vector<16xi32>], vector<16xf32>,
      %get3A_25 = arith.constant 32 : index
      %get3A_26 = tpu.vector_load %arg6[%get3A_25] {strides = array<i32>} : memref<1024xf32, #tpu.memory_space<vmem>>, vector<16xf32>,
      %get3A_27 = arith.constant 32 : index
      %get3A_28 = tpu.vector_load %arg7[%get3A_27] {strides = array<i32>} : memref<1024xi32, #tpu.memory_space<vmem>>, vector<16xi32>,
      tpu.vector_store_idx %arg8[%get3A_28], %get3A_26 {add = true} : memref<16xf32, #tpu.memory_space<vmem>>[vector<16xi32>], vector<16xf32>,
      %get3A_29 = arith.constant 48 : index
      %get3A_30 = tpu.vector_load %arg6[%get3A_29] {strides = array<i32>} : memref<1024xf32, #tpu.memory_space<vmem>>, vector<16xf32>,
      %get3A_31 = arith.constant 48 : index
      %get3A_32 = tpu.vector_load %arg7[%get3A_31] {strides = array<i32>} : memref<1024xi32, #tpu.memory_space<vmem>>, vector<16xi32>,
      tpu.vector_store_idx %arg8[%get3A_32], %get3A_30 {add = true} : memref<16xf32, #tpu.memory_space<vmem>>[vector<16xi32>], vector<16xf32>,
      %get3A_33 = arith.constant 64 : index
      %get3A_34 = tpu.vector_load %arg6[%get3A_33] {strides = array<i32>} : memref<1024xf32, #tpu.memory_space<vmem>>, vector<16xf32>,
      %get3A_35 = arith.constant 64 : index
      %get3A_36 = tpu.vector_load %arg7[%get3A_35] {strides = array<i32>} : memref<1024xi32, #tpu.memory_space<vmem>>, vector<16xi32>,
      tpu.vector_store_idx %arg8[%get3A_36], %get3A_34 {add = true} : memref<16xf32, #tpu.memory_space<vmem>>[vector<16xi32>], vector<16xf32>,
      %get3A_37 = arith.constant 80 : index
      %get3A_38 = tpu.vector_load %arg6[%get3A_37] {strides = array<i32>} : memref<1024xf32, #tpu.memory_space<vmem>>, vector<16xf32>,
      %get3A_39 = arith.constant 80 : index
      %get3A_40 = tpu.vector_load %arg7[%get3A_39] {strides = array<i32>} : memref<1024xi32, #tpu.memory_space<vmem>>, vector<16xi32>,
      tpu.vector_store_idx %arg8[%get3A_40], %get3A_38 {add = true} : memref<16xf32, #tpu.memory_space<vmem>>[vector<16xi32>], vector<16xf32>,
      %get3A_41 = arith.constant 96 : index
      %get3A_42 = tpu.vector_load %arg6[%get3A_41] {strides = array<i32>} : memref<1024xf32, #tpu.memory_space<vmem>>, vector<16xf32>,
      %get3A_43 = arith.constant 96 : index
      %get3A_44 = tpu.vector_load %arg7[%get3A_43] {strides = array<i32>} : memref<1024xi32, #tpu.memory_space<vmem>>, vector<16xi32>,
      tpu.vector_store_idx %arg8[%get3A_44], %get3A_42 {add = true} : memref<16xf32, #tpu.memory_space<vmem>>[vector<16xi32>], vector<16xf32>,
      %get3A_45 = arith.constant 112 : index
      %get3A_46 = tpu.vector_load %arg6[%get3A_45] {strides = array<i32>} : memref<1024xf32, #tpu.memory_space<vmem>>, vector<16xf32>,
      %get3A_47 = arith.constant 112 : index
      %get3A_48 = tpu.vector_load %arg7[%get3A_47] {strides = array<i32>} : memref<1024xi32, #tpu.memory_space<vmem>>, vector<16xi32>,
      tpu.vector_store_idx %arg8[%get3A_48], %get3A_46 {add = true} : memref<16xf32, #tpu.memory_space<vmem>>[vector<16xi32>], vector<16xf32>,
      %get3A_49 = arith.constant 128 : index
      %get3A_50 = tpu.vector_load %arg6[%get3A_49] {strides = array<i32>} : memref<1024xf32, #tpu.memory_space<vmem>>, vector<16xf32>,
      %get3A_51 = arith.constant 128 : index
      %get3A_52 = tpu.vector_load %arg7[%get3A_51] {strides = array<i32>} : memref<1024xi32, #tpu.memory_space<vmem>>, vector<16xi32>,
      tpu.vector_store_idx %arg8[%get3A_52], %get3A_50 {add = true} : memref<16xf32, #tpu.memory_space<vmem>>[vector<16xi32>], vector<16xf32>,
      %get3A_53 = arith.constant 144 : index
      %get3A_54 = tpu.vector_load %arg6[%get3A_53] {strides = array<i32>} : memref<1024xf32, #tpu.memory_space<vmem>>, vector<16xf32>,
      %get3A_55 = arith.constant 144 : index
      %get3A_56 = tpu.vector_load %arg7[%get3A_55] {strides = array<i32>} : memref<1024xi32, #tpu.memory_space<vmem>>, vector<16xi32>,
      tpu.vector_store_idx %arg8[%get3A_56], %get3A_54 {add = true} : memref<16xf32, #tpu.memory_space<vmem>>[vector<16xi32>], vector<16xf32>,
      %get3A_57 = arith.constant 160 : index
      %get3A_58 = tpu.vector_load %arg6[%get3A_57] {strides = array<i32>} : memref<1024xf32, #tpu.memory_space<vmem>>, vector<16xf32>,
      %get3A_59 = arith.constant 160 : index
      %get3A_60 = tpu.vector_load %arg7[%get3A_59] {strides = array<i32>} : memref<1024xi32, #tpu.memory_space<vmem>>, vector<16xi32>,
      tpu.vector_store_idx %arg8[%get3A_60], %get3A_58 {add = true} : memref<16xf32, #tpu.memory_space<vmem>>[vector<16xi32>], vector<16xf32>,
      %get3A_61 = arith.constant 176 : index
      %get3A_62 = tpu.vector_load %arg6[%get3A_61] {strides = array<i32>} : memref<1024xf32, #tpu.memory_space<vmem>>, vector<16xf32>,
      %get3A_63 = arith.constant 176 : index
      %get3A_64 = tpu.vector_load %arg7[%get3A_63] {strides = array<i32>} : memref<1024xi32, #tpu.memory_space<vmem>>, vector<16xi32>,
      tpu.vector_store_idx %arg8[%get3A_64], %get3A_62 {add = true} : memref<16xf32, #tpu.memory_space<vmem>>[vector<16xi32>], vector<16xf32>,
      %get3A_65 = arith.constant 192 : index
      %get3A_66 = tpu.vector_load %arg6[%get3A_65] {strides = array<i32>} : memref<1024xf32, #tpu.memory_space<vmem>>, vector<16xf32>,
      %get3A_67 = arith.constant 192 : index
      %get3A_68 = tpu.vector_load %arg7[%get3A_67] {strides = array<i32>} : memref<1024xi32, #tpu.memory_space<vmem>>, vector<16xi32>,
      tpu.vector_store_idx %arg8[%get3A_68], %get3A_66 {add = true} : memref<16xf32, #tpu.memory_space<vmem>>[vector<16xi32>], vector<16xf32>,
      %get3A_69 = arith.constant 208 : index
      %get3A_70 = tpu.vector_load %arg6[%get3A_69] {strides = array<i32>} : memref<1024xf32, #tpu.memory_space<vmem>>, vector<16xf32>,
      %get3A_71 = arith.constant 208 : index
      %get3A_72 = tpu.vector_load %arg7[%get3A_71] {strides = array<i32>} : memref<1024xi32, #tpu.memory_space<vmem>>, vector<16xi32>,
      tpu.vector_store_idx %arg8[%get3A_72], %get3A_70 {add = true} : memref<16xf32, #tpu.memory_space<vmem>>[vector<16xi32>], vector<16xf32>,
      %get3A_73 = arith.constant 224 : index
      %get3A_74 = tpu.vector_load %arg6[%get3A_73] {strides = array<i32>} : memref<1024xf32, #tpu.memory_space<vmem>>, vector<16xf32>,
      %get3A_75 = arith.constant 224 : index
      %get3A_76 = tpu.vector_load %arg7[%get3A_75] {strides = array<i32>} : memref<1024xi32, #tpu.memory_space<vmem>>, vector<16xi32>,
      tpu.vector_store_idx %arg8[%get3A_76], %get3A_74 {add = true} : memref<16xf32, #tpu.memory_space<vmem>>[vector<16xi32>], vector<16xf32>,
      %get3A_77 = arith.constant 240 : index
      %get3A_78 = tpu.vector_load %arg6[%get3A_77] {strides = array<i32>} : memref<1024xf32, #tpu.memory_space<vmem>>, vector<16xf32>,
      %get3A_79 = arith.constant 240 : index
      %get3A_80 = tpu.vector_load %arg7[%get3A_79] {strides = array<i32>} : memref<1024xi32, #tpu.memory_space<vmem>>, vector<16xi32>,
      tpu.vector_store_idx %arg8[%get3A_80], %get3A_78 {add = true} : memref<16xf32, #tpu.memory_space<vmem>>[vector<16xi32>], vector<16xf32>,
      %get3A_81 = arith.constant 256 : index
      %get3A_82 = tpu.vector_load %arg6[%get3A_81] {strides = array<i32>} : memref<1024xf32, #tpu.memory_space<vmem>>, vector<16xf32>,
      %get3A_83 = arith.constant 256 : index
      %get3A_84 = tpu.vector_load %arg7[%get3A_83] {strides = array<i32>} : memref<1024xi32, #tpu.memory_space<vmem>>, vector<16xi32>,
      tpu.vector_store_idx %arg8[%get3A_84], %get3A_82 {add = true} : memref<16xf32, #tpu.memory_space<vmem>>[vector<16xi32>], vector<16xf32>,
      %get3A_85 = arith.constant 272 : index
      %get3A_86 = tpu.vector_load %arg6[%get3A_85] {strides = array<i32>} : memref<1024xf32, #tpu.memory_space<vmem>>, vector<16xf32>,
      %get3A_87 = arith.constant 272 : index
      %get3A_88 = tpu.vector_load %arg7[%get3A_87] {strides = array<i32>} : memref<1024xi32, #tpu.memory_space<vmem>>, vector<16xi32>,
      tpu.vector_store_idx %arg8[%get3A_88], %get3A_86 {add = true} : memref<16xf32, #tpu.memory_space<vmem>>[vector<16xi32>], vector<16xf32>,
      %get3A_89 = arith.constant 288 : index
      %get3A_90 = tpu.vector_load %arg6[%get3A_89] {strides = array<i32>} : memref<1024xf32, #tpu.memory_space<vmem>>, vector<16xf32>,
      %get3A_91 = arith.constant 288 : index
      %get3A_92 = tpu.vector_load %arg7[%get3A_91] {strides = array<i32>} : memref<1024xi32, #tpu.memory_space<vmem>>, vector<16xi32>,
      tpu.vector_store_idx %arg8[%get3A_92], %get3A_90 {add = true} : memref<16xf32, #tpu.memory_space<vmem>>[vector<16xi32>], vector<16xf32>,
      %get3A_93 = arith.constant 304 : index
      %get3A_94 = tpu.vector_load %arg6[%get3A_93] {strides = array<i32>} : memref<1024xf32, #tpu.memory_space<vmem>>, vector<16xf32>,
      %get3A_95 = arith.constant 304 : index
      %get3A_96 = tpu.vector_load %arg7[%get3A_95] {strides = array<i32>} : memref<1024xi32, #tpu.memory_space<vmem>>, vector<16xi32>,
      tpu.vector_store_idx %arg8[%get3A_96], %get3A_94 {add = true} : memref<16xf32, #tpu.memory_space<vmem>>[vector<16xi32>], vector<16xf32>,
      %get3A_97 = arith.constant 320 : index
      %get3A_98 = tpu.vector_load %arg6[%get3A_97] {strides = array<i32>} : memref<1024xf32, #tpu.memory_space<vmem>>, vector<16xf32>,
      %get3A_99 = arith.constant 320 : index
      %get3A_100 = tpu.vector_load %arg7[%get3A_99] {strides = array<i32>} : memref<1024xi32, #tpu.memory_space<vmem>>, vector<16xi32>,
      tpu.vector_store_idx %arg8[%get3A_100], %get3A_98 {add = true} : memref<16xf32, #tpu.memory_space<vmem>>[vector<16xi32>], vector<16xf32>,
      %get3A_101 = arith.constant 336 : index
      %get3A_102 = tpu.vector_load %arg6[%get3A_101] {strides = array<i32>} : memref<1024xf32, #tpu.memory_space<vmem>>, vector<16xf32>,
      %get3A_103 = arith.constant 336 : index
      %get3A_104 = tpu.vector_load %arg7[%get3A_103] {strides = array<i32>} : memref<1024xi32, #tpu.memory_space<vmem>>, vector<16xi32>,
      tpu.vector_store_idx %arg8[%get3A_104], %get3A_102 {add = true} : memref<16xf32, #tpu.memory_space<vmem>>[vector<16xi32>], vector<16xf32>,
      %get3A_105 = arith.constant 352 : index
      %get3A_106 = tpu.vector_load %arg6[%get3A_105] {strides = array<i32>} : memref<1024xf32, #tpu.memory_space<vmem>>, vector<16xf32>,
      %get3A_107 = arith.constant 352 : index
      %get3A_108 = tpu.vector_load %arg7[%get3A_107] {strides = array<i32>} : memref<1024xi32, #tpu.memory_space<vmem>>, vector<16xi32>,
      tpu.vector_store_idx %arg8[%get3A_108], %get3A_106 {add = true} : memref<16xf32, #tpu.memory_space<vmem>>[vector<16xi32>], vector<16xf32>,
      %get3A_109 = arith.constant 368 : index
      %get3A_110 = tpu.vector_load %arg6[%get3A_109] {strides = array<i32>} : memref<1024xf32, #tpu.memory_space<vmem>>, vector<16xf32>,
      %get3A_111 = arith.constant 368 : index
      %get3A_112 = tpu.vector_load %arg7[%get3A_111] {strides = array<i32>} : memref<1024xi32, #tpu.memory_space<vmem>>, vector<16xi32>,
      tpu.vector_store_idx %arg8[%get3A_112], %get3A_110 {add = true} : memref<16xf32, #tpu.memory_space<vmem>>[vector<16xi32>], vector<16xf32>,
      %get3A_113 = arith.constant 384 : index
      %get3A_114 = tpu.vector_load %arg6[%get3A_113] {strides = array<i32>} : memref<1024xf32, #tpu.memory_space<vmem>>, vector<16xf32>,
      %get3A_115 = arith.constant 384 : index
      %get3A_116 = tpu.vector_load %arg7[%get3A_115] {strides = array<i32>} : memref<1024xi32, #tpu.memory_space<vmem>>, vector<16xi32>,
      tpu.vector_store_idx %arg8[%get3A_116], %get3A_114 {add = true} : memref<16xf32, #tpu.memory_space<vmem>>[vector<16xi32>], vector<16xf32>,
      %get3A_117 = arith.constant 400 : index
      %get3A_118 = tpu.vector_load %arg6[%get3A_117] {strides = array<i32>} : memref<1024xf32, #tpu.memory_space<vmem>>, vector<16xf32>,
      %get3A_119 = arith.constant 400 : index
      %get3A_120 = tpu.vector_load %arg7[%get3A_119] {strides = array<i32>} : memref<1024xi32, #tpu.memory_space<vmem>>, vector<16xi32>,
      tpu.vector_store_idx %arg8[%get3A_120], %get3A_118 {add = true} : memref<16xf32, #tpu.memory_space<vmem>>[vector<16xi32>], vector<16xf32>,
      %get3A_121 = arith.constant 416 : index
      %get3A_122 = tpu.vector_load %arg6[%get3A_121] {strides = array<i32>} : memref<1024xf32, #tpu.memory_space<vmem>>, vector<16xf32>,
      %get3A_123 = arith.constant 416 : index
      %get3A_124 = tpu.vector_load %arg7[%get3A_123] {strides = array<i32>} : memref<1024xi32, #tpu.memory_space<vmem>>, vector<16xi32>,
      tpu.vector_store_idx %arg8[%get3A_124], %get3A_122 {add = true} : memref<16xf32, #tpu.memory_space<vmem>>[vector<16xi32>], vector<16xf32>,
      %get3A_125 = arith.constant 432 : index
      %get3A_126 = tpu.vector_load %arg6[%get3A_125] {strides = array<i32>} : memref<1024xf32, #tpu.memory_space<vmem>>, vector<16xf32>,
      %get3A_127 = arith.constant 432 : index
      %get3A_128 = tpu.vector_load %arg7[%get3A_127] {strides = array<i32>} : memref<1024xi32, #tpu.memory_space<vmem>>, vector<16xi32>,
      tpu.vector_store_idx %arg8[%get3A_128], %get3A_126 {add = true} : memref<16xf32, #tpu.memory_space<vmem>>[vector<16xi32>], vector<16xf32>,
      %get3A_129 = arith.constant 448 : index
      %get3A_130 = tpu.vector_load %arg6[%get3A_129] {strides = array<i32>} : memref<1024xf32, #tpu.memory_space<vmem>>, vector<16xf32>,
      %get3A_131 = arith.constant 448 : index
      %get3A_132 = tpu.vector_load %arg7[%get3A_131] {strides = array<i32>} : memref<1024xi32, #tpu.memory_space<vmem>>, vector<16xi32>,
      tpu.vector_store_idx %arg8[%get3A_132], %get3A_130 {add = true} : memref<16xf32, #tpu.memory_space<vmem>>[vector<16xi32>], vector<16xf32>,
      %get3A_133 = arith.constant 464 : index
      %get3A_134 = tpu.vector_load %arg6[%get3A_133] {strides = array<i32>} : memref<1024xf32, #tpu.memory_space<vmem>>, vector<16xf32>,
      %get3A_135 = arith.constant 464 : index
      %get3A_136 = tpu.vector_load %arg7[%get3A_135] {strides = array<i32>} : memref<1024xi32, #tpu.memory_space<vmem>>, vector<16xi32>,
      tpu.vector_store_idx %arg8[%get3A_136], %get3A_134 {add = true} : memref<16xf32, #tpu.memory_space<vmem>>[vector<16xi32>], vector<16xf32>,
      %get3A_137 = arith.constant 480 : index
      %get3A_138 = tpu.vector_load %arg6[%get3A_137] {strides = array<i32>} : memref<1024xf32, #tpu.memory_space<vmem>>, vector<16xf32>,
      %get3A_139 = arith.constant 480 : index
      %get3A_140 = tpu.vector_load %arg7[%get3A_139] {strides = array<i32>} : memref<1024xi32, #tpu.memory_space<vmem>>, vector<16xi32>,
      tpu.vector_store_idx %arg8[%get3A_140], %get3A_138 {add = true} : memref<16xf32, #tpu.memory_space<vmem>>[vector<16xi32>], vector<16xf32>,
      %get3A_141 = arith.constant 496 : index
      %get3A_142 = tpu.vector_load %arg6[%get3A_141] {strides = array<i32>} : memref<1024xf32, #tpu.memory_space<vmem>>, vector<16xf32>,
      %get3A_143 = arith.constant 496 : index
      %get3A_144 = tpu.vector_load %arg7[%get3A_143] {strides = array<i32>} : memref<1024xi32, #tpu.memory_space<vmem>>, vector<16xi32>,
      tpu.vector_store_idx %arg8[%get3A_144], %get3A_142 {add = true} : memref<16xf32, #tpu.memory_space<vmem>>[vector<16xi32>], vector<16xf32>,
      %get3A_145 = arith.constant 512 : index
      %get3A_146 = tpu.vector_load %arg6[%get3A_145] {strides = array<i32>} : memref<1024xf32, #tpu.memory_space<vmem>>, vector<16xf32>,
      %get3A_147 = arith.constant 512 : index
      %get3A_148 = tpu.vector_load %arg7[%get3A_147] {strides = array<i32>} : memref<1024xi32, #tpu.memory_space<vmem>>, vector<16xi32>,
      tpu.vector_store_idx %arg8[%get3A_148], %get3A_146 {add = true} : memref<16xf32, #tpu.memory_space<vmem>>[vector<16xi32>], vector<16xf32>,
      %get3A_149 = arith.constant 528 : index
      %get3A_150 = tpu.vector_load %arg6[%get3A_149] {strides = array<i32>} : memref<1024xf32, #tpu.memory_space<vmem>>, vector<16xf32>,
      %get3A_151 = arith.constant 528 : index
      %get3A_152 = tpu.vector_load %arg7[%get3A_151] {strides = array<i32>} : memref<1024xi32, #tpu.memory_space<vmem>>, vector<16xi32>,
      tpu.vector_store_idx %arg8[%get3A_152], %get3A_150 {add = true} : memref<16xf32, #tpu.memory_space<vmem>>[vector<16xi32>], vector<16xf32>,
      %get3A_153 = arith.constant 544 : index
      %get3A_154 = tpu.vector_load %arg6[%get3A_153] {strides = array<i32>} : memref<1024xf32, #tpu.memory_space<vmem>>, vector<16xf32>,
      %get3A_155 = arith.constant 544 : index
      %get3A_156 = tpu.vector_load %arg7[%get3A_155] {strides = array<i32>} : memref<1024xi32, #tpu.memory_space<vmem>>, vector<16xi32>,
      tpu.vector_store_idx %arg8[%get3A_156], %get3A_154 {add = true} : memref<16xf32, #tpu.memory_space<vmem>>[vector<16xi32>], vector<16xf32>,
      %get3A_157 = arith.constant 560 : index
      %get3A_158 = tpu.vector_load %arg6[%get3A_157] {strides = array<i32>} : memref<1024xf32, #tpu.memory_space<vmem>>, vector<16xf32>,
      %get3A_159 = arith.constant 560 : index
      %get3A_160 = tpu.vector_load %arg7[%get3A_159] {strides = array<i32>} : memref<1024xi32, #tpu.memory_space<vmem>>, vector<16xi32>,
      tpu.vector_store_idx %arg8[%get3A_160], %get3A_158 {add = true} : memref<16xf32, #tpu.memory_space<vmem>>[vector<16xi32>], vector<16xf32>,
      %get3A_161 = arith.constant 576 : index
      %get3A_162 = tpu.vector_load %arg6[%get3A_161] {strides = array<i32>} : memref<1024xf32, #tpu.memory_space<vmem>>, vector<16xf32>,
      %get3A_163 = arith.constant 576 : index
      %get3A_164 = tpu.vector_load %arg7[%get3A_163] {strides = array<i32>} : memref<1024xi32, #tpu.memory_space<vmem>>, vector<16xi32>,
      tpu.vector_store_idx %arg8[%get3A_164], %get3A_162 {add = true} : memref<16xf32, #tpu.memory_space<vmem>>[vector<16xi32>], vector<16xf32>,
      %get3A_165 = arith.constant 592 : index
      %get3A_166 = tpu.vector_load %arg6[%get3A_165] {strides = array<i32>} : memref<1024xf32, #tpu.memory_space<vmem>>, vector<16xf32>,
      %get3A_167 = arith.constant 592 : index
      %get3A_168 = tpu.vector_load %arg7[%get3A_167] {strides = array<i32>} : memref<1024xi32, #tpu.memory_space<vmem>>, vector<16xi32>,
      tpu.vector_store_idx %arg8[%get3A_168], %get3A_166 {add = true} : memref<16xf32, #tpu.memory_space<vmem>>[vector<16xi32>], vector<16xf32>,
      %get3A_169 = arith.constant 608 : index
      %get3A_170 = tpu.vector_load %arg6[%get3A_169] {strides = array<i32>} : memref<1024xf32, #tpu.memory_space<vmem>>, vector<16xf32>,
      %get3A_171 = arith.constant 608 : index
      %get3A_172 = tpu.vector_load %arg7[%get3A_171] {strides = array<i32>} : memref<1024xi32, #tpu.memory_space<vmem>>, vector<16xi32>,
      tpu.vector_store_idx %arg8[%get3A_172], %get3A_170 {add = true} : memref<16xf32, #tpu.memory_space<vmem>>[vector<16xi32>], vector<16xf32>,
      %get3A_173 = arith.constant 624 : index
      %get3A_174 = tpu.vector_load %arg6[%get3A_173] {strides = array<i32>} : memref<1024xf32, #tpu.memory_space<vmem>>, vector<16xf32>,
      %get3A_175 = arith.constant 624 : index
      %get3A_176 = tpu.vector_load %arg7[%get3A_175] {strides = array<i32>} : memref<1024xi32, #tpu.memory_space<vmem>>, vector<16xi32>,
      tpu.vector_store_idx %arg8[%get3A_176], %get3A_174 {add = true} : memref<16xf32, #tpu.memory_space<vmem>>[vector<16xi32>], vector<16xf32>,
      %get3A_177 = arith.constant 640 : index
      %get3A_178 = tpu.vector_load %arg6[%get3A_177] {strides = array<i32>} : memref<1024xf32, #tpu.memory_space<vmem>>, vector<16xf32>,
      %get3A_179 = arith.constant 640 : index
      %get3A_180 = tpu.vector_load %arg7[%get3A_179] {strides = array<i32>} : memref<1024xi32, #tpu.memory_space<vmem>>, vector<16xi32>,
      tpu.vector_store_idx %arg8[%get3A_180], %get3A_178 {add = true} : memref<16xf32, #tpu.memory_space<vmem>>[vector<16xi32>], vector<16xf32>,
      %get3A_181 = arith.constant 656 : index
      %get3A_182 = tpu.vector_load %arg6[%get3A_181] {strides = array<i32>} : memref<1024xf32, #tpu.memory_space<vmem>>, vector<16xf32>,
      %get3A_183 = arith.constant 656 : index
      %get3A_184 = tpu.vector_load %arg7[%get3A_183] {strides = array<i32>} : memref<1024xi32, #tpu.memory_space<vmem>>, vector<16xi32>,
      tpu.vector_store_idx %arg8[%get3A_184], %get3A_182 {add = true} : memref<16xf32, #tpu.memory_space<vmem>>[vector<16xi32>], vector<16xf32>,
      %get3A_185 = arith.constant 672 : index
      %get3A_186 = tpu.vector_load %arg6[%get3A_185] {strides = array<i32>} : memref<1024xf32, #tpu.memory_space<vmem>>, vector<16xf32>,
      %get3A_187 = arith.constant 672 : index
      %get3A_188 = tpu.vector_load %arg7[%get3A_187] {strides = array<i32>} : memref<1024xi32, #tpu.memory_space<vmem>>, vector<16xi32>,
      tpu.vector_store_idx %arg8[%get3A_188], %get3A_186 {add = true} : memref<16xf32, #tpu.memory_space<vmem>>[vector<16xi32>], vector<16xf32>,
      %get3A_189 = arith.constant 688 : index
      %get3A_190 = tpu.vector_load %arg6[%get3A_189] {strides = array<i32>} : memref<1024xf32, #tpu.memory_space<vmem>>, vector<16xf32>,
      %get3A_191 = arith.constant 688 : index
      %get3A_192 = tpu.vector_load %arg7[%get3A_191] {strides = array<i32>} : memref<1024xi32, #tpu.memory_space<vmem>>, vector<16xi32>,
      tpu.vector_store_idx %arg8[%get3A_192], %get3A_190 {add = true} : memref<16xf32, #tpu.memory_space<vmem>>[vector<16xi32>], vector<16xf32>,
      %get3A_193 = arith.constant 704 : index
      %get3A_194 = tpu.vector_load %arg6[%get3A_193] {strides = array<i32>} : memref<1024xf32, #tpu.memory_space<vmem>>, vector<16xf32>,
      %get3A_195 = arith.constant 704 : index
      %get3A_196 = tpu.vector_load %arg7[%get3A_195] {strides = array<i32>} : memref<1024xi32, #tpu.memory_space<vmem>>, vector<16xi32>,
      tpu.vector_store_idx %arg8[%get3A_196], %get3A_194 {add = true} : memref<16xf32, #tpu.memory_space<vmem>>[vector<16xi32>], vector<16xf32>,
      %get3A_197 = arith.constant 720 : index
      %get3A_198 = tpu.vector_load %arg6[%get3A_197] {strides = array<i32>} : memref<1024xf32, #tpu.memory_space<vmem>>, vector<16xf32>,
      %get3A_199 = arith.constant 720 : index
      %get3A_200 = tpu.vector_load %arg7[%get3A_199] {strides = array<i32>} : memref<1024xi32, #tpu.memory_space<vmem>>, vector<16xi32>,
      tpu.vector_store_idx %arg8[%get3A_200], %get3A_198 {add = true} : memref<16xf32, #tpu.memory_space<vmem>>[vector<16xi32>], vector<16xf32>,
      %get3A_201 = arith.constant 736 : index
      %get3A_202 = tpu.vector_load %arg6[%get3A_201] {strides = array<i32>} : memref<1024xf32, #tpu.memory_space<vmem>>, vector<16xf32>,
      %get3A_203 = arith.constant 736 : index
      %get3A_204 = tpu.vector_load %arg7[%get3A_203] {strides = array<i32>} : memref<1024xi32, #tpu.memory_space<vmem>>, vector<16xi32>,
      tpu.vector_store_idx %arg8[%get3A_204], %get3A_202 {add = true} : memref<16xf32, #tpu.memory_space<vmem>>[vector<16xi32>], vector<16xf32>,
      %get3A_205 = arith.constant 752 : index
      %get3A_206 = tpu.vector_load %arg6[%get3A_205] {strides = array<i32>} : memref<1024xf32, #tpu.memory_space<vmem>>, vector<16xf32>,
      %get3A_207 = arith.constant 752 : index
      %get3A_208 = tpu.vector_load %arg7[%get3A_207] {strides = array<i32>} : memref<1024xi32, #tpu.memory_space<vmem>>, vector<16xi32>,
      tpu.vector_store_idx %arg8[%get3A_208], %get3A_206 {add = true} : memref<16xf32, #tpu.memory_space<vmem>>[vector<16xi32>], vector<16xf32>,
      %get3A_209 = arith.constant 768 : index
      %get3A_210 = tpu.vector_load %arg6[%get3A_209] {strides = array<i32>} : memref<1024xf32, #tpu.memory_space<vmem>>, vector<16xf32>,
      %get3A_211 = arith.constant 768 : index
      %get3A_212 = tpu.vector_load %arg7[%get3A_211] {strides = array<i32>} : memref<1024xi32, #tpu.memory_space<vmem>>, vector<16xi32>,
      tpu.vector_store_idx %arg8[%get3A_212], %get3A_210 {add = true} : memref<16xf32, #tpu.memory_space<vmem>>[vector<16xi32>], vector<16xf32>,
      %get3A_213 = arith.constant 784 : index
      %get3A_214 = tpu.vector_load %arg6[%get3A_213] {strides = array<i32>} : memref<1024xf32, #tpu.memory_space<vmem>>, vector<16xf32>,
      %get3A_215 = arith.constant 784 : index
      %get3A_216 = tpu.vector_load %arg7[%get3A_215] {strides = array<i32>} : memref<1024xi32, #tpu.memory_space<vmem>>, vector<16xi32>,
      tpu.vector_store_idx %arg8[%get3A_216], %get3A_214 {add = true} : memref<16xf32, #tpu.memory_space<vmem>>[vector<16xi32>], vector<16xf32>,
      %get3A_217 = arith.constant 800 : index
      %get3A_218 = tpu.vector_load %arg6[%get3A_217] {strides = array<i32>} : memref<1024xf32, #tpu.memory_space<vmem>>, vector<16xf32>,
      %get3A_219 = arith.constant 800 : index
      %get3A_220 = tpu.vector_load %arg7[%get3A_219] {strides = array<i32>} : memref<1024xi32, #tpu.memory_space<vmem>>, vector<16xi32>,
      tpu.vector_store_idx %arg8[%get3A_220], %get3A_218 {add = true} : memref<16xf32, #tpu.memory_space<vmem>>[vector<16xi32>], vector<16xf32>,
      %get3A_221 = arith.constant 816 : index
      %get3A_222 = tpu.vector_load %arg6[%get3A_221] {strides = array<i32>} : memref<1024xf32, #tpu.memory_space<vmem>>, vector<16xf32>,
      %get3A_223 = arith.constant 816 : index
      %get3A_224 = tpu.vector_load %arg7[%get3A_223] {strides = array<i32>} : memref<1024xi32, #tpu.memory_space<vmem>>, vector<16xi32>,
      tpu.vector_store_idx %arg8[%get3A_224], %get3A_222 {add = true} : memref<16xf32, #tpu.memory_space<vmem>>[vector<16xi32>], vector<16xf32>,
      %get3A_225 = arith.constant 832 : index
      %get3A_226 = tpu.vector_load %arg6[%get3A_225] {strides = array<i32>} : memref<1024xf32, #tpu.memory_space<vmem>>, vector<16xf32>,
      %get3A_227 = arith.constant 832 : index
      %get3A_228 = tpu.vector_load %arg7[%get3A_227] {strides = array<i32>} : memref<1024xi32, #tpu.memory_space<vmem>>, vector<16xi32>,
      tpu.vector_store_idx %arg8[%get3A_228], %get3A_226 {add = true} : memref<16xf32, #tpu.memory_space<vmem>>[vector<16xi32>], vector<16xf32>,
      %get3A_229 = arith.constant 848 : index
      %get3A_230 = tpu.vector_load %arg6[%get3A_229] {strides = array<i32>} : memref<1024xf32, #tpu.memory_space<vmem>>, vector<16xf32>,
      %get3A_231 = arith.constant 848 : index
      %get3A_232 = tpu.vector_load %arg7[%get3A_231] {strides = array<i32>} : memref<1024xi32, #tpu.memory_space<vmem>>, vector<16xi32>,
      tpu.vector_store_idx %arg8[%get3A_232], %get3A_230 {add = true} : memref<16xf32, #tpu.memory_space<vmem>>[vector<16xi32>], vector<16xf32>,
      %get3A_233 = arith.constant 864 : index
      %get3A_234 = tpu.vector_load %arg6[%get3A_233] {strides = array<i32>} : memref<1024xf32, #tpu.memory_space<vmem>>, vector<16xf32>,
      %get3A_235 = arith.constant 864 : index
      %get3A_236 = tpu.vector_load %arg7[%get3A_235] {strides = array<i32>} : memref<1024xi32, #tpu.memory_space<vmem>>, vector<16xi32>,
      tpu.vector_store_idx %arg8[%get3A_236], %get3A_234 {add = true} : memref<16xf32, #tpu.memory_space<vmem>>[vector<16xi32>], vector<16xf32>,
      %get3A_237 = arith.constant 880 : index
      %get3A_238 = tpu.vector_load %arg6[%get3A_237] {strides = array<i32>} : memref<1024xf32, #tpu.memory_space<vmem>>, vector<16xf32>,
      %get3A_239 = arith.constant 880 : index
      %get3A_240 = tpu.vector_load %arg7[%get3A_239] {strides = array<i32>} : memref<1024xi32, #tpu.memory_space<vmem>>, vector<16xi32>,
      tpu.vector_store_idx %arg8[%get3A_240], %get3A_238 {add = true} : memref<16xf32, #tpu.memory_space<vmem>>[vector<16xi32>], vector<16xf32>,
      %get3A_241 = arith.constant 896 : index
      %get3A_242 = tpu.vector_load %arg6[%get3A_241] {strides = array<i32>} : memref<1024xf32, #tpu.memory_space<vmem>>, vector<16xf32>,
      %get3A_243 = arith.constant 896 : index
      %get3A_244 = tpu.vector_load %arg7[%get3A_243] {strides = array<i32>} : memref<1024xi32, #tpu.memory_space<vmem>>, vector<16xi32>,
      tpu.vector_store_idx %arg8[%get3A_244], %get3A_242 {add = true} : memref<16xf32, #tpu.memory_space<vmem>>[vector<16xi32>], vector<16xf32>,
      %get3A_245 = arith.constant 912 : index
      %get3A_246 = tpu.vector_load %arg6[%get3A_245] {strides = array<i32>} : memref<1024xf32, #tpu.memory_space<vmem>>, vector<16xf32>,
      %get3A_247 = arith.constant 912 : index
      %get3A_248 = tpu.vector_load %arg7[%get3A_247] {strides = array<i32>} : memref<1024xi32, #tpu.memory_space<vmem>>, vector<16xi32>,
      tpu.vector_store_idx %arg8[%get3A_248], %get3A_246 {add = true} : memref<16xf32, #tpu.memory_space<vmem>>[vector<16xi32>], vector<16xf32>,
      %get3A_249 = arith.constant 928 : index
      %get3A_250 = tpu.vector_load %arg6[%get3A_249] {strides = array<i32>} : memref<1024xf32, #tpu.memory_space<vmem>>, vector<16xf32>,
      %get3A_251 = arith.constant 928 : index
      %get3A_252 = tpu.vector_load %arg7[%get3A_251] {strides = array<i32>} : memref<1024xi32, #tpu.memory_space<vmem>>, vector<16xi32>,
      tpu.vector_store_idx %arg8[%get3A_252], %get3A_250 {add = true} : memref<16xf32, #tpu.memory_space<vmem>>[vector<16xi32>], vector<16xf32>,
      %get3A_253 = arith.constant 944 : index
      %get3A_254 = tpu.vector_load %arg6[%get3A_253] {strides = array<i32>} : memref<1024xf32, #tpu.memory_space<vmem>>, vector<16xf32>,
      %get3A_255 = arith.constant 944 : index
      %get3A_256 = tpu.vector_load %arg7[%get3A_255] {strides = array<i32>} : memref<1024xi32, #tpu.memory_space<vmem>>, vector<16xi32>,
      tpu.vector_store_idx %arg8[%get3A_256], %get3A_254 {add = true} : memref<16xf32, #tpu.memory_space<vmem>>[vector<16xi32>], vector<16xf32>,
      %get3A_257 = arith.constant 960 : index
      %get3A_258 = tpu.vector_load %arg6[%get3A_257] {strides = array<i32>} : memref<1024xf32, #tpu.memory_space<vmem>>, vector<16xf32>,
      %get3A_259 = arith.constant 960 : index
      %get3A_260 = tpu.vector_load %arg7[%get3A_259] {strides = array<i32>} : memref<1024xi32, #tpu.memory_space<vmem>>, vector<16xi32>,
      tpu.vector_store_idx %arg8[%get3A_260], %get3A_258 {add = true} : memref<16xf32, #tpu.memory_space<vmem>>[vector<16xi32>], vector<16xf32>,
      %get3A_261 = arith.constant 976 : index
      %get3A_262 = tpu.vector_load %arg6[%get3A_261] {strides = array<i32>} : memref<1024xf32, #tpu.memory_space<vmem>>, vector<16xf32>,
      %get3A_263 = arith.constant 976 : index
      %get3A_264 = tpu.vector_load %arg7[%get3A_263] {strides = array<i32>} : memref<1024xi32, #tpu.memory_space<vmem>>, vector<16xi32>,
      tpu.vector_store_idx %arg8[%get3A_264], %get3A_262 {add = true} : memref<16xf32, #tpu.memory_space<vmem>>[vector<16xi32>], vector<16xf32>,
      %get3A_265 = arith.constant 992 : index
      %get3A_266 = tpu.vector_load %arg6[%get3A_265] {strides = array<i32>} : memref<1024xf32, #tpu.memory_space<vmem>>, vector<16xf32>,
      %get3A_267 = arith.constant 992 : index
      %get3A_268 = tpu.vector_load %arg7[%get3A_267] {strides = array<i32>} : memref<1024xi32, #tpu.memory_space<vmem>>, vector<16xi32>,
      tpu.vector_store_idx %arg8[%get3A_268], %get3A_266 {add = true} : memref<16xf32, #tpu.memory_space<vmem>>[vector<16xi32>], vector<16xf32>,
      %get3A_269 = arith.constant 1008 : index
      %get3A_270 = tpu.vector_load %arg6[%get3A_269] {strides = array<i32>} : memref<1024xf32, #tpu.memory_space<vmem>>, vector<16xf32>,
      %get3A_271 = arith.constant 1008 : index
      %get3A_272 = tpu.vector_load %arg7[%get3A_271] {strides = array<i32>} : memref<1024xi32, #tpu.memory_space<vmem>>, vector<16xi32>,
      tpu.vector_store_idx %arg8[%get3A_272], %get3A_270 {add = true} : memref<16xf32, #tpu.memory_space<vmem>>[vector<16xi32>], vector<16xf32>,
      "tpu.region"() ({
        %run_scoped3A = tpu.sem_alloc : memref<!tpu.dma_semaphore, #tpu.memory_space<semaphore_mem>>
        %dma_start3A_273 = arith.constant 0 : i32
        %dma_start3A_274 = tpu.memref_slice %arg4[%arg1, %dma_start3A_273] : memref<16x16xf32, #tpu.memory_space<hbm>> -> memref<1x16xf32, #tpu.memory_space<hbm>>
        %dma_start3A_275 = tpu.memref_squeeze %dma_start3A_274 : memref<1x16xf32, #tpu.memory_space<hbm>> -> memref<16xf32, #tpu.memory_space<hbm>>
        %dma_start3A_276 = arith.constant 0 : i32
        %dma_start3A_277 = tpu.memref_slice %arg4[%arg1, %dma_start3A_276] : memref<16x16xf32, #tpu.memory_space<hbm>> -> memref<1x16xf32, #tpu.memory_space<hbm>>
        %dma_start3A_278 = tpu.memref_squeeze %dma_start3A_277 : memref<1x16xf32, #tpu.memory_space<hbm>> -> memref<16xf32, #tpu.memory_space<hbm>>
        tpu.enqueue_dma source(%arg8 : memref<16xf32, #tpu.memory_space<vmem>>) target(%dma_start3A_278 : memref<16xf32, #tpu.memory_space<hbm>>) target_semaphore(%run_scoped3A : memref<!tpu.dma_semaphore, #tpu.memory_space<semaphore_mem>>)
        %dma_wait3A_279 = arith.constant 0 : i32
        %dma_wait3A_280 = tpu.memref_slice %arg4[%arg1, %dma_wait3A_279] : memref<16x16xf32, #tpu.memory_space<hbm>> -> memref<1x16xf32, #tpu.memory_space<hbm>>
        %dma_wait3A_281 = tpu.memref_squeeze %dma_wait3A_280 : memref<1x16xf32, #tpu.memory_space<hbm>> -> memref<16xf32, #tpu.memory_space<hbm>>
        %dma_wait3A_282 = arith.constant 0 : i32
        %dma_wait3A_283 = tpu.memref_slice %arg4[%arg1, %dma_wait3A_282] : memref<16x16xf32, #tpu.memory_space<hbm>> -> memref<1x16xf32, #tpu.memory_space<hbm>>
        %dma_wait3A_284 = tpu.memref_squeeze %dma_wait3A_283 : memref<1x16xf32, #tpu.memory_space<hbm>> -> memref<16xf32, #tpu.memory_space<hbm>>
        tpu.wait_dma2 semaphore(%run_scoped3A : memref<!tpu.dma_semaphore, #tpu.memory_space<semaphore_mem>>) src(%arg8 : memref<16xf32, #tpu.memory_space<vmem>>) dst(%dma_wait3A_284 : memref<16xf32, #tpu.memory_space<hbm>>)
        tpu.yield
      }) : () -> ()
    } else {
    }
    %barrier3A = arith.constant 0 : index
    tpu.barrier barrier_id(%barrier3A)
    %eq3A_2 = arith.constant 0 : i32
    %eq3A_3 = arith.cmpi eq, %arg0, %eq3A_2 : i32
    %eq3A_4 = arith.constant 0 : i32
    %eq3A_5 = arith.cmpi eq, %arg1, %eq3A_4 : i32
    %and3A = arith.andi %eq3A_3, %eq3A_5 : i1
    %convert_element_type3A_6 = arith.extui %and3A : i1 to i32
    %cond3A_7 = arith.constant 0 : i32
    %cond3A_8 = arith.cmpi ne, %convert_element_type3A_6, %cond3A_7 : i32
    scf.if %cond3A_8 {
      "tpu.region"() ({
        %run_scoped3A = tpu.sem_alloc : memref<!tpu.dma_semaphore, #tpu.memory_space<semaphore_mem>>
        tpu.enqueue_dma source(%arg4 : memref<16x16xf32, #tpu.memory_space<hbm>>) target(%arg9 : memref<16x16xf32, #tpu.memory_space<vmem>>) target_semaphore(%run_scoped3A : memref<!tpu.dma_semaphore, #tpu.memory_space<semaphore_mem>>)
        tpu.wait_dma2 semaphore(%run_scoped3A : memref<!tpu.dma_semaphore, #tpu.memory_space<semaphore_mem>>) src(%arg4 : memref<16x16xf32, #tpu.memory_space<hbm>>) dst(%arg9 : memref<16x16xf32, #tpu.memory_space<vmem>>)
        tpu.yield
      }) : () -> ()
      %get3A = arith.constant 0 : i32
      %get3A_9 = arith.index_cast %get3A : i32 to index
      %get3A_10 = arith.constant 0 : index
      %get3A_11 = tpu.vector_load %arg9[%get3A_9, %get3A_10] {strides = array<i32>} : memref<16x16xf32, #tpu.memory_space<vmem>>, vector<16xf32>,
      %get3A_12 = arith.constant 1 : i32
      %get3A_13 = arith.index_cast %get3A_12 : i32 to index
      %get3A_14 = arith.constant 0 : index
      %get3A_15 = tpu.vector_load %arg9[%get3A_13, %get3A_14] {strides = array<i32>} : memref<16x16xf32, #tpu.memory_space<vmem>>, vector<16xf32>,
      %add3A = arith.addf %get3A_11, %get3A_15 : vector<16xf32>
      %get3A_16 = arith.constant 2 : i32
      %get3A_17 = arith.index_cast %get3A_16 : i32 to index
      %get3A_18 = arith.constant 0 : index
      %get3A_19 = tpu.vector_load %arg9[%get3A_17, %get3A_18] {strides = array<i32>} : memref<16x16xf32, #tpu.memory_space<vmem>>, vector<16xf32>,
      %add3A_20 = arith.addf %add3A, %get3A_19 : vector<16xf32>
      %get3A_21 = arith.constant 3 : i32
      %get3A_22 = arith.index_cast %get3A_21 : i32 to index
      %get3A_23 = arith.constant 0 : index
      %get3A_24 = tpu.vector_load %arg9[%get3A_22, %get3A_23] {strides = array<i32>} : memref<16x16xf32, #tpu.memory_space<vmem>>, vector<16xf32>,
      %add3A_25 = arith.addf %add3A_20, %get3A_24 : vector<16xf32>
      %get3A_26 = arith.constant 4 : i32
      %get3A_27 = arith.index_cast %get3A_26 : i32 to index
      %get3A_28 = arith.constant 0 : index
      %get3A_29 = tpu.vector_load %arg9[%get3A_27, %get3A_28] {strides = array<i32>} : memref<16x16xf32, #tpu.memory_space<vmem>>, vector<16xf32>,
      %add3A_30 = arith.addf %add3A_25, %get3A_29 : vector<16xf32>
      %get3A_31 = arith.constant 5 : i32
      %get3A_32 = arith.index_cast %get3A_31 : i32 to index
      %get3A_33 = arith.constant 0 : index
      %get3A_34 = tpu.vector_load %arg9[%get3A_32, %get3A_33] {strides = array<i32>} : memref<16x16xf32, #tpu.memory_space<vmem>>, vector<16xf32>,
      %add3A_35 = arith.addf %add3A_30, %get3A_34 : vector<16xf32>
      %get3A_36 = arith.constant 6 : i32
      %get3A_37 = arith.index_cast %get3A_36 : i32 to index
      %get3A_38 = arith.constant 0 : index
      %get3A_39 = tpu.vector_load %arg9[%get3A_37, %get3A_38] {strides = array<i32>} : memref<16x16xf32, #tpu.memory_space<vmem>>, vector<16xf32>,
      %add3A_40 = arith.addf %add3A_35, %get3A_39 : vector<16xf32>
      %get3A_41 = arith.constant 7 : i32
      %get3A_42 = arith.index_cast %get3A_41 : i32 to index
      %get3A_43 = arith.constant 0 : index
      %get3A_44 = tpu.vector_load %arg9[%get3A_42, %get3A_43] {strides = array<i32>} : memref<16x16xf32, #tpu.memory_space<vmem>>, vector<16xf32>,
      %add3A_45 = arith.addf %add3A_40, %get3A_44 : vector<16xf32>
      %get3A_46 = arith.constant 8 : i32
      %get3A_47 = arith.index_cast %get3A_46 : i32 to index
      %get3A_48 = arith.constant 0 : index
      %get3A_49 = tpu.vector_load %arg9[%get3A_47, %get3A_48] {strides = array<i32>} : memref<16x16xf32, #tpu.memory_space<vmem>>, vector<16xf32>,
      %add3A_50 = arith.addf %add3A_45, %get3A_49 : vector<16xf32>
      %get3A_51 = arith.constant 9 : i32
      %get3A_52 = arith.index_cast %get3A_51 : i32 to index
      %get3A_53 = arith.constant 0 : index
      %get3A_54 = tpu.vector_load %arg9[%get3A_52, %get3A_53] {strides = array<i32>} : memref<16x16xf32, #tpu.memory_space<vmem>>, vector<16xf32>,
      %add3A_55 = arith.addf %add3A_50, %get3A_54 : vector<16xf32>
      %get3A_56 = arith.constant 10 : i32
      %get3A_57 = arith.index_cast %get3A_56 : i32 to index
      %get3A_58 = arith.constant 0 : index
      %get3A_59 = tpu.vector_load %arg9[%get3A_57, %get3A_58] {strides = array<i32>} : memref<16x16xf32, #tpu.memory_space<vmem>>, vector<16xf32>,
      %add3A_60 = arith.addf %add3A_55, %get3A_59 : vector<16xf32>
      %get3A_61 = arith.constant 11 : i32
      %get3A_62 = arith.index_cast %get3A_61 : i32 to index
      %get3A_63 = arith.constant 0 : index
      %get3A_64 = tpu.vector_load %arg9[%get3A_62, %get3A_63] {strides = array<i32>} : memref<16x16xf32, #tpu.memory_space<vmem>>, vector<16xf32>,
      %add3A_65 = arith.addf %add3A_60, %get3A_64 : vector<16xf32>
      %get3A_66 = arith.constant 12 : i32
      %get3A_67 = arith.index_cast %get3A_66 : i32 to index
      %get3A_68 = arith.constant 0 : index
      %get3A_69 = tpu.vector_load %arg9[%get3A_67, %get3A_68] {strides = array<i32>} : memref<16x16xf32, #tpu.memory_space<vmem>>, vector<16xf32>,
      %add3A_70 = arith.addf %add3A_65, %get3A_69 : vector<16xf32>
      %get3A_71 = arith.constant 13 : i32
      %get3A_72 = arith.index_cast %get3A_71 : i32 to index
      %get3A_73 = arith.constant 0 : index
      %get3A_74 = tpu.vector_load %arg9[%get3A_72, %get3A_73] {strides = array<i32>} : memref<16x16xf32, #tpu.memory_space<vmem>>, vector<16xf32>,
      %add3A_75 = arith.addf %add3A_70, %get3A_74 : vector<16xf32>
      %get3A_76 = arith.constant 14 : i32
      %get3A_77 = arith.index_cast %get3A_76 : i32 to index
      %get3A_78 = arith.constant 0 : index
      %get3A_79 = tpu.vector_load %arg9[%get3A_77, %get3A_78] {strides = array<i32>} : memref<16x16xf32, #tpu.memory_space<vmem>>, vector<16xf32>,
      %add3A_80 = arith.addf %add3A_75, %get3A_79 : vector<16xf32>
      %get3A_81 = arith.constant 15 : i32
      %get3A_82 = arith.index_cast %get3A_81 : i32 to index
      %get3A_83 = arith.constant 0 : index
      %get3A_84 = tpu.vector_load %arg9[%get3A_82, %get3A_83] {strides = array<i32>} : memref<16x16xf32, #tpu.memory_space<vmem>>, vector<16xf32>,
      %add3A_85 = arith.addf %add3A_80, %get3A_84 : vector<16xf32>
      %swap3A = arith.constant 0 : index
      %swap3A_86 = tpu.vector_load %arg8[%swap3A] {strides = array<i32>} : memref<16xf32, #tpu.memory_space<vmem>>, vector<16xf32>,
      tpu.vector_store %arg8[%swap3A], %add3A_85 {strides = array<i32>} : memref<16xf32, #tpu.memory_space<vmem>>, vector<16xf32>,
      "tpu.region"() ({
        %run_scoped3A = tpu.sem_alloc : memref<!tpu.dma_semaphore, #tpu.memory_space<semaphore_mem>>
        tpu.enqueue_dma source(%arg8 : memref<16xf32, #tpu.memory_space<vmem>>) target(%arg5 : memref<16xf32, #tpu.memory_space<hbm>>) target_semaphore(%run_scoped3A : memref<!tpu.dma_semaphore, #tpu.memory_space<semaphore_mem>>)
        tpu.wait_dma2 semaphore(%run_scoped3A : memref<!tpu.dma_semaphore, #tpu.memory_space<semaphore_mem>>) src(%arg8 : memref<16xf32, #tpu.memory_space<vmem>>) dst(%arg5 : memref<16xf32, #tpu.memory_space<hbm>>)
        tpu.yield
      }) : () -> ()
    } else {
    }
    return
  }
}

module attributes {stable_mosaic.version = 14 : i64} {
  func.func @_mlp_body(%arg0: i32, %arg1: memref<4096x256xf32, #tpu.memory_space<vmem>>, %arg2: memref<256x256xf32, #tpu.memory_space<vmem>>, %arg3: memref<1x256xf32, #tpu.memory_space<vmem>>, %arg4: memref<256x1xf32, #tpu.memory_space<vmem>>, %arg5: memref<1xf32, #tpu.memory_space<smem>>, %arg6: memref<4096xf32, #tpu.memory_space<vmem>>) attributes {dimension_semantics = [#tpu.dimension_semantics<arbitrary>], iteration_bounds = array<i64: 4>, scalar_prefetch = 0 : i64, scratch_operands = 0 : i64, tpu.core_type = #tpu.core_type<tc>, window_params = [{transform_indices = @transform_0, window_bounds = array<i64: 4096, 256>}, {pipeline_mode = #tpu.pipeline_mode<synchronous>, transform_indices = @transform_1, window_bounds = array<i64: 256, 256>}, {pipeline_mode = #tpu.pipeline_mode<synchronous>, transform_indices = @transform_2, window_bounds = array<i64: 1, 256>}, {pipeline_mode = #tpu.pipeline_mode<synchronous>, transform_indices = @transform_3, window_bounds = array<i64: 256, 1>}, {transform_indices = @transform_4, window_bounds = array<i64: 1>}, {transform_indices = @transform_5, window_bounds = array<i64: 4096>}]} {
    %get3A = arith.constant 0 : index
    %get3A_0 = arith.constant 0 : index
    %get3A_1 = vector.load %arg1[%get3A, %get3A_0] : memref<4096x256xf32, #tpu.memory_space<vmem>>, vector<4096x256xf32>
    %get3A_2 = arith.constant 0 : index
    %get3A_3 = arith.constant 0 : index
    %get3A_4 = vector.load %arg2[%get3A_2, %get3A_3] : memref<256x256xf32, #tpu.memory_space<vmem>>, vector<256x256xf32>
    %dot_general3A = arith.constant dense<0.000000e+00> : vector<4096x256xf32>
    %dot_general3A_5 = tpu.matmul %get3A_1, %get3A_4, %dot_general3A {dimension_numbers = #tpu.dot_dimension_numbers<[1], [0], [0], [1], [0, 0, 1, 1], [], []>, transpose_lhs_hint = false} : vector<4096x256xf32>, vector<256x256xf32>, vector<4096x256xf32> -> vector<4096x256xf32>
    %get3A_6 = arith.constant 0 : index
    %get3A_7 = arith.constant 0 : index
    %get3A_8 = vector.load %arg3[%get3A_6, %get3A_7] : memref<1x256xf32, #tpu.memory_space<vmem>>, vector<1x256xf32>
    %add3A = vector.broadcast %get3A_8 : vector<1x256xf32> to vector<4096x256xf32>
    %add3A_9 = arith.addf %dot_general3A_5, %add3A : vector<4096x256xf32>
    %logistic3A = arith.negf %add3A_9 : vector<4096x256xf32>
    %logistic3A_10 = math.exp %logistic3A : vector<4096x256xf32>
    %logistic3A_11 = arith.constant 1.000000e+00 : f32
    %logistic3A_12 = vector.broadcast %logistic3A_11 : f32 to vector<4096x256xf32>
    %logistic3A_13 = arith.addf %logistic3A_12, %logistic3A_10 : vector<4096x256xf32>
    %logistic3A_14 = arith.divf %logistic3A_12, %logistic3A_13 : vector<4096x256xf32>
    %mul3A = arith.mulf %add3A_9, %logistic3A_14 : vector<4096x256xf32>
    %iota3A = tpu.iota {dimensions = array<i32: 0>} : vector<256x16xi32>
    %jit3A = arith.constant 16 : i32
    %div3A = vector.broadcast %jit3A : i32 to vector<256x16xi32>
    %div3A_15 = arith.divsi %iota3A, %div3A : vector<256x16xi32>
    %sign3A = arith.constant 0 : i32
    %sign3A_16 = vector.broadcast %sign3A : i32 to vector<256x16xi32>
    %sign3A_17 = arith.cmpi sgt, %iota3A, %sign3A_16 : vector<256x16xi32>
    %sign3A_18 = arith.extui %sign3A_17 : vector<256x16xi1> to vector<256x16xi32>
    %sign3A_19 = arith.constant 0 : i32
    %sign3A_20 = vector.broadcast %sign3A_19 : i32 to vector<256x16xi32>
    %sign3A_21 = arith.cmpi slt, %iota3A, %sign3A_20 : vector<256x16xi32>
    %sign3A_22 = arith.extui %sign3A_21 : vector<256x16xi1> to vector<256x16xi32>
    %sign3A_23 = arith.subi %sign3A_18, %sign3A_22 : vector<256x16xi32>
    %sign3A_24 = arith.constant 0 : i32
    %sign3A_25 = arith.cmpi sgt, %jit3A, %sign3A_24 : i32
    %sign3A_26 = arith.extui %sign3A_25 : i1 to i32
    %sign3A_27 = arith.constant 0 : i32
    %sign3A_28 = arith.cmpi slt, %jit3A, %sign3A_27 : i32
    %sign3A_29 = arith.extui %sign3A_28 : i1 to i32
    %sign3A_30 = arith.subi %sign3A_26, %sign3A_29 : i32
    %ne3A = vector.broadcast %sign3A_30 : i32 to vector<256x16xi32>
    %ne3A_31 = arith.cmpi ne, %sign3A_23, %ne3A : vector<256x16xi32>
    %rem3A = vector.broadcast %jit3A : i32 to vector<256x16xi32>
    %rem3A_32 = arith.remsi %iota3A, %rem3A : vector<256x16xi32>
    %ne3A_33 = arith.constant 0 : i32
    %ne3A_34 = vector.broadcast %ne3A_33 : i32 to vector<256x16xi32>
    %ne3A_35 = arith.cmpi ne, %rem3A_32, %ne3A_34 : vector<256x16xi32>
    %and3A = arith.andi %ne3A_31, %ne3A_35 : vector<256x16xi1>
    %sub3A = arith.constant 1 : i32
    %sub3A_36 = vector.broadcast %sub3A : i32 to vector<256x16xi32>
    %sub3A_37 = arith.subi %div3A_15, %sub3A_36 : vector<256x16xi32>
    %select_n3A = arith.select %and3A, %sub3A_37, %div3A_15 : vector<256x16xi1>, vector<256x16xi32>
    %iota3A_38 = tpu.iota {dimensions = array<i32: 1>} : vector<256x16xi32>
    %eq3A = arith.cmpi eq, %select_n3A, %iota3A_38 : vector<256x16xi32>
    %get3A_39 = arith.constant 0 : index
    %get3A_40 = arith.constant 0 : index
    %get3A_41 = vector.load %arg4[%get3A_39, %get3A_40] : memref<256x1xf32, #tpu.memory_space<vmem>>, vector<256x1xf32>
    %jit3A_42 = arith.constant 0.000000e+00 : f32
    %broadcast_in_dim3A = vector.shape_cast %get3A_41 : vector<256x1xf32> to vector<256x1xf32>
    %broadcast_in_dim3A_43 = vector.broadcast %broadcast_in_dim3A : vector<256x1xf32> to vector<256x16xf32>
    %broadcast_in_dim3A_44 = vector.broadcast %jit3A_42 : f32 to vector<256x16xf32>
    %select_n3A_45 = arith.select %eq3A, %broadcast_in_dim3A_43, %broadcast_in_dim3A_44 : vector<256x16xi1>, vector<256x16xf32>
    %dot_general3A_46 = arith.constant dense<0.000000e+00> : vector<4096x16xf32>
    %dot_general3A_47 = tpu.matmul %mul3A, %select_n3A_45, %dot_general3A_46 {dimension_numbers = #tpu.dot_dimension_numbers<[1], [0], [0], [1], [0, 0, 1, 1], [], []>, transpose_lhs_hint = false} : vector<4096x256xf32>, vector<256x16xf32>, vector<4096x16xf32> -> vector<4096x16xf32>
    %transpose3A = tpu.transpose %dot_general3A_47, [1, 0] : vector<4096x16xf32> -> vector<16x4096xf32>
    %reduce_sum3A = arith.constant dense<0.000000e+00> : vector<4096xf32>
    %reduce_sum3A_48 = vector.multi_reduction <add>, %transpose3A, %reduce_sum3A [0] : vector<16x4096xf32> to vector<4096xf32>
    %get3A_49 = arith.constant 0 : index
    %get3A_50 = memref.load %arg5[%get3A_49] : memref<1xf32, #tpu.memory_space<smem>>
    %add3A_51 = vector.broadcast %get3A_50 : f32 to vector<4096xf32>
    %add3A_52 = arith.addf %reduce_sum3A_48, %add3A_51 : vector<4096xf32>
    %swap3A = arith.constant 0 : index
    %swap3A_53 = vector.load %arg6[%swap3A] : memref<4096xf32, #tpu.memory_space<vmem>>, vector<4096xf32>
    tpu.vector_store %arg6[%swap3A], %add3A_52 {strides = array<i32>} : memref<4096xf32, #tpu.memory_space<vmem>>, vector<4096xf32>,
    return
  }
  func.func @transform_0(%arg0: i32) -> (i32, i32) {
    %c0_i32 = arith.constant 0 : i32
    %c0_i32_0 = arith.constant 0 : i32
    return %arg0, %c0_i32 : i32, i32
  }
  func.func @transform_1(%arg0: i32) -> (i32, i32) {
    %c0_i32 = arith.constant 0 : i32
    %c0_i32_0 = arith.constant 0 : i32
    %c0_i32_1 = arith.constant 0 : i32
    return %c0_i32, %c0_i32_0 : i32, i32
  }
  func.func @transform_2(%arg0: i32) -> (i32, i32) {
    %c0_i32 = arith.constant 0 : i32
    %c0_i32_0 = arith.constant 0 : i32
    %c0_i32_1 = arith.constant 0 : i32
    return %c0_i32, %c0_i32_0 : i32, i32
  }
  func.func @transform_3(%arg0: i32) -> (i32, i32) {
    %c0_i32 = arith.constant 0 : i32
    %c0_i32_0 = arith.constant 0 : i32
    %c0_i32_1 = arith.constant 0 : i32
    return %c0_i32, %c0_i32_0 : i32, i32
  }
  func.func @transform_4(%arg0: i32) -> i32 {
    %c0_i32 = arith.constant 0 : i32
    %c0_i32_0 = arith.constant 0 : i32
    return %c0_i32 : i32
  }
  func.func @transform_5(%arg0: i32) -> i32 {
    %c0_i32 = arith.constant 0 : i32
    return %arg0 : i32
  }
}

</mosaic_0001>

<sc_bundles>
// kernel: kernel.4.cloned.1.call-start
scs
__scs_entry_jumppad:
0x0: {  	(pc) =	sbr.rel $0x88, $3  }
0x1: {  	(tag) =	ssettag $0x0;
	lr =	simm.s32 $0x1  }
0x2: {  	[smem:$0x3F9B] =	sst lr;
	_ =	strace $0xD0000000  }
0x3: {  	_ = 	snop  }
0x4: {  	_ = 	snop  }
0x5: {  	_ = 	snop  }
0x6: {  	_ = 	snop  }
0x7: {  	_ = 	snop  }
__scs_overlays_trampoline_lowered:
0x8: {  	[smem:$0x3FAA] =	sst s0  }
0x9: {  	[smem:$0x3FAB] =	sst s1  }
0xa: {  	[smem:$0x3FAC] =	sst s2  }
0xb: {  	[smem:$0x3FAD] =	sst s3  }
0xc: {  	[smem:$0x3FAE] =	sst s4  }
0xd: {  	[smem:$0x3FAF] =	sst s5  }
0xe: {  	[smem:$0x3FB0] =	sst s6  }
0xf: {  	[smem:$0x3FB1] =	sst s7  }
0x10: {  	[smem:$0x3FB2] =	sst s8  }
0x11: {  	[smem:$0x3FB3] =	sst s9;
	s0 =	simm.s32 @!p0 $0x0  }
0x12: {  	s1 =	sld [smem:$0x3F99];
	s0 =	simm.s32 @p0 $0x1  }
0x13: {  	[smem:$0x3FB4] =	sst s0;
	s0 =	simm.s32 @!p1 $0x0  }
0x14: {  	s2 =	sld [smem:$0x3F98];
	s0 =	simm.s32 @p1 $0x1  }
0x15: {  	[smem:$0x3FB5] =	sst s0;
	s0 =	simm.s32 @!p2 $0x0  }
0x16: {  	s3 =	sld [smem:$0x3FDB];
	s0 =	simm.s32 @p2 $0x1  }
0x17: {  	s4 =	simm.s32 $0x1BF5;
	[smem:$0x3FB7] =	sst s0  }
0x18: {  	s0 =	sld [smem:$0x3F9A];
	_ =	swait.ge [sflag:s4], $0x0  }
0x19: {  	s7 =	sld [smem:$0x3F9B]  }
0x1a: {  	s8 =	sadd.s32 $0xFFFFE003, lr  }
0x1b: {  	s9 =	sadd.s32 $0xFFFFFEF7, lr;
	s5 =	simm.s32 $0xFFFFFFFF;
	p2 =	slt.u32 s8, $0xFFFFF086  }
0x1c: {  	p1 =	slt.u32 s9, $0xF7A;
	s5 =	simm.s32 @!p2 $0x0  }
0x1d: {  	s5 =	simm.s32 @p1 $0x1;
	p0 =	seq.s32 s7, s2  }
0x1e: {  	s7 =	smul.u32 @!p0 $0xF7A, s2;
	p2 =	seq.s32 @!p0 s5, $0x0  }
0x1f: {  	s9 =	smul.u32 $0xF7A, s1;
	s8 =	simm.s32 @!p0 $0x1BF5;
	p2 =	por !p2, p0  }
0x20: {  	[sflag:s8] =	ssyncset.s32 @!p0 $0xFFFFF086;
	s6 =	sadd.s32 @!p0 s3, s7;
	s7 =	simm.s32 @!p0 $0x108  }
0x21: {  	s3 =	sadd.s32 s3, s9;
	s6 =	sadd.s32 @!p0 $0x88, s6;
	s7 =	simm.s32 @p2 $0x1082  }
0x22: {  	[simem:s7], [sflag:s8] =	dma.local @!p0 [hbm:s6], $0xF7A  }
0x23: {  	s9 =	sor.u32 $0xD0000000, s2;
	s6 =	simm.s32 $0x108;
	_ =	swait.ge @!p0 [sflag:s8], $0x0  }
0x24: {  	s3 =	sadd.s32 $0x88, s3;
	s6 =	simm.s32 @!p1 $0x1082;
	[sflag:s4] =	ssyncset.s32 $0xFFFFF086  }
0x25: {  	[simem:s6], [sflag:s4] =	dma.local [hbm:s3], $0xF7A  }
0x26: {  	[smem:$0x3F9B] =	sst s1;
	(tag) =	ssettag s2;
	_ =	strace s9  }
0x27: {  	s1 =	sld [smem:$0x3FAB]  }
0x28: {  	s2 =	sld [smem:$0x3FAC]  }
0x29: {  	s4 =	sld [smem:$0x3FAE]  }
0x2a: {  	p0 =	seq.s32 s5, $0x0;
	s5 =	sld [smem:$0x3FAF]  }
0x2b: {  	s6 =	sld [smem:$0x3FB0]  }
0x2c: {  	s7 =	sld [smem:$0x3FB1]  }
0x2d: {  	s3 =	simm.s32 $0x108;
	s8 =	sld [smem:$0x3FB2]  }
0x2e: {  	s3 =	simm.s32 @!p0 $0x1082;
	s9 =	sld [smem:$0x3FB3]  }
0x2f: {  	lr =	sadd.s32 s0, s3;
	s0 =	sld [smem:$0x3FAA]  }
0x30: {  	s3 =	sld [smem:$0x3FAD]  }
0x31: {  	[smem:$0x3FB6] =	sst s10  }
0x32: {  	s10 =	sld [smem:$0x3FB4];
	_ =	sdelay $0x3  }
0x33: {  	p0 =	seq.s32 s10, $0x1;
	s10 =	sld [smem:$0x3FB6];
	_ =	sdelay $0x3  }
0x34: {  	[smem:$0x3FB6] =	sst s10  }
0x35: {  	s10 =	sld [smem:$0x3FB5];
	_ =	sdelay $0x3  }
0x36: {  	p1 =	seq.s32 s10, $0x1;
	s10 =	sld [smem:$0x3FB6];
	_ =	sdelay $0x3  }
0x37: {  	[smem:$0x3FB6] =	sst s10  }
0x38: {  	s10 =	sld [smem:$0x3FB7]  }
0x39: {  	_ = 	snop;
	(pc) =	sbr.ind lr, $3  }
0x3a: {  	_ = 	snop  }
0x3b: {  	_ = 	snop  }
0x3c: {  	p2 =	seq.s32 s10, $0x1;
	s10 =	sld [smem:$0x3FB6]  }
0x3d: {  	_ =	shalt  }
0x3e: {  	_ =	shalt  }
0x3f: {  	_ =	shalt  }
0x40: {  	_ =	shalt  }
0x41: {  	_ =	shalt  }
0x42: {  	_ =	shalt  }
0x43: {  	_ =	shalt  }
0x44: {  	_ =	shalt  }
0x45: {  	_ =	shalt  }
0x46: {  	_ =	shalt  }
0x47: {  	_ =	shalt  }
0x48: {  	_ =	shalt  }
0x49: {  	_ =	shalt  }
0x4a: {  	_ =	shalt  }
0x4b: {  	_ =	shalt  }
0x4c: {  	_ =	shalt  }
0x4d: {  	_ =	shalt  }
0x4e: {  	_ =	shalt  }
0x4f: {  	_ =	shalt  }
0x50: {  	_ =	shalt  }
0x51: {  	_ =	shalt  }
0x52: {  	_ =	shalt  }
0x53: {  	_ =	shalt  }
0x54: {  	_ =	shalt  }
0x55: {  	_ =	shalt  }
0x56: {  	_ =	shalt  }
0x57: {  	_ =	shalt  }
0x58: {  	_ =	shalt  }
0x59: {  	_ =	shalt  }
0x5a: {  	_ =	shalt  }
0x5b: {  	_ =	shalt  }
0x5c: {  	_ =	shalt  }
0x5d: {  	_ =	shalt  }
0x5e: {  	_ =	shalt  }
0x5f: {  	_ =	shalt  }
0x60: {  	_ =	shalt  }
0x61: {  	_ =	shalt  }
0x62: {  	_ =	shalt  }
0x63: {  	_ =	shalt  }
0x64: {  	_ =	shalt  }
0x65: {  	_ =	shalt  }
0x66: {  	_ =	shalt  }
0x67: {  	_ =	shalt  }
0x68: {  	_ =	shalt  }
0x69: {  	_ =	shalt  }
0x6a: {  	_ =	shalt  }
0x6b: {  	_ =	shalt  }
0x6c: {  	_ =	shalt  }
0x6d: {  	_ =	shalt  }
0x6e: {  	_ =	shalt  }
0x6f: {  	_ =	shalt  }
0x70: {  	_ =	shalt  }
0x71: {  	_ =	shalt  }
0x72: {  	_ =	shalt  }
0x73: {  	_ =	shalt  }
0x74: {  	_ =	shalt  }
0x75: {  	_ =	shalt  }
0x76: {  	_ =	shalt  }
0x77: {  	_ =	shalt  }
0x78: {  	_ =	shalt  }
0x79: {  	_ =	shalt  }
0x7a: {  	_ =	shalt  }
0x7b: {  	_ =	shalt  }
0x7c: {  	_ =	shalt  }
0x7d: {  	_ =	shalt  }
0x7e: {  	_ =	shalt  }
0x7f: {  	_ =	shalt  }
0x80: {  	_ =	shalt  }
0x81: {  	_ =	shalt  }
0x82: {  	_ =	shalt  }
0x83: {  	_ =	shalt  }
0x84: {  	_ =	shalt  }
0x85: {  	_ =	shalt  }
0x86: {  	_ =	shalt  }
0x87: {  	_ =	shalt  }
.Lfunc_end0:
.L_simem_size_0:
called_computation_lowered:
.L_overlay_start_0:
0x88: {  	s0 =	sld [smem:$0x3FD9]  }
0x89: {  	s1 =	sld [smem:$0x3FFE];
	_ =	sdelay $0x3  }
0x8a: {  	s0 =	sadd.s32 s1, s0  }
0x8b: {  	[smem:$0x3FC2] =	sst s0  }
0x8c: {  	_ = 	snop  }
0x8d: {  	s0 =	sld [smem:$0x3FC8]  }
0x8e: {  	s16 =	sld [smem:$0x3FD0];
	(tm) =	ssettm $0x1  }
0x8f: {  	s2 =	sld [smem:$0x3FFB];
	_ =	sdelay $0x3  }
0x90: {  	_ =	strace s2  }
0x91: {  	s2 =	sld [smem:$0x3FFC];
	_ =	sdelay $0x3  }
0x92: {  	_ =	strace s2  }
0x93: {  	s2 =	sld [smem:$0x3FFD];
	_ =	sdelay $0x3  }
0x94: {  	_ =	strace s2  }
0x95: {  	_ =	strace $0x8FFFFFFF  }
0x96: {  	s17 =	sld [smem:$0x3FDB];
	_ =	sdelay $0x1  }
0x97: {  	s3 =	simm.s32 $_scs_section_size  }
0x98: {  	s4 =	simm.s32 $_size__tile_overlayer_lowered;
	s5 =	simm.s32 $_tile_overlayer_lowered  }
0x99: {  	s20 =	simm.s32 $0x1BFF;
	s19 =	sshll.u32 s5, $0x1;
	s2 =	sadd.s32 s3, s17  }
0x9a: {  	s6 =	simm.s32 $0x0;
	s18 =	sshll.u32 s4, $0x1;
	s4 =	sadd.s32 s19, s2  }
0x9b: {  	[timem:s6], [sflag:s20] =	dma.local [hbm:s4], s18  }
0x9c: {  	_ =	swait.ge [sflag:s20], s18  }
0x9d: {  	s3 =	ssub.s32 $0x0, s18;
	[sflag:s20] =	ssyncset.done $0x0  }
0x9e: {  	[sflag:s20] =	ssyncadd.s32 s3;
	_ =	sdelay $0x1  }
0x9f: {  	s21 =	simm.s32 $0x1B8B  }
0xa0: {  	_ =	swait.ge [sflag:s21], $0x1  }
0xa1: {  	[sflag:s21] =	ssyncset.done $0x0  }
0xa2: {  	s23 =	simm.s32 $0x1B8E;
	s22 =	sld [smem:$0x3FFE];
	[sflag:s21] =	ssyncadd.s32 $0xFFFFFFFF  }
0xa3: {  	s24 =	simm.s32 $execute0_lowered;
	[smem:$0x3FD2] =	sst s23  }
0xa4: {  	s4 =	sshll.u32 s24, $0x1;
	_ =	strace $0x80000046;
	[dreg:$0x1] =	wrdreg $0xFFFFFFFF  }
0xa5: {  	s25 =	simm.s32 $_size_execute0_lowered;
	s2 =	sadd.s32 s2, s4;
	[dreg:$0x0] =	wrdreg $0x0  }
0xa6: {  	s4 =	sshll.u32 s25, $0x1;
	[dreg:$0x2] =	wrdreg s2  }
0xa7: {  	[dreg:$0x3] =	wrdreg s4  }
0xa8: {  	[dreg:$0x4] =	wrdreg $0xC0  }
0xa9: {  	_ =	task [dreg:s6], $0x5FFFF  }
0xaa: {  	[dreg:$0x1] =	wrdreg $0xFFFFFFFF  }
0xab: {  	[dreg:$0x0] =	wrdreg $0x60  }
0xac: {  	[dreg:$0x2] =	wrdreg s22  }
0xad: {  	[dreg:$0x3] =	wrdreg s0  }
0xae: {  	[dreg:$0x4] =	wrdreg s16  }
0xaf: {  	[dreg:$0x5] =	wrdreg $0x9  }
0xb0: {  	_ =	task.clear_ibuf [dreg:s6], $0x6FFFF;
	_ =	strace $0x90000046  }
0xb1: {  	s26 =	simm.s32 $0x9;
	_ =	strace $0x80000048  }
0xb2: {  	_ =	swait.ge [sflag:s26], $0x1  }
0xb3: {  	[sflag:s26] =	ssyncadd.s32 $0xFFFFFFFF  }
0xb4: {  	_ =	strace $0x90000048  }
0xb5: {  	_ =	sfence  }
0xb6: {  	s28 =	sld [smem:$0x0];
	_ =	sdelay $0x1  }
0xb7: {  	s29 =	srdreg.scid  }
0xb8: {  	s30 =	sshll.u32 s29, $0xD;
	s31 =	sshrl.u32 s29, $0x2  }
0xb9: {  	s1 =	sand.u32 $0x1, s29;
	s2 =	sand.u32 $0x4000, s30;
	s0 =	sadd.s32 s31, s28  }
0xba: {  	s1 =	sor.u32 s2, s1;
	s0 =	sshll.u32 s0, $0x11  }
0xbb: {  	s0 =	sor.u32 s0, s1  }
0xbc: {  	s0 =	sadd.s32 $0x8F2B, s0  }
0xbd: {  	[sflag:s0] =	ssyncadd.remote.s32 $0x1  }
0xbe: {  	_ =	sfence.sel $0xFFFF  }
0xbf: {  	[dreg:$0x0] =	wrdreg $0xFFFFFFFF;
	(pc) =	sbr.abs _section_cstart, $3  }
0xc0: {  	[dreg:$0x1] =	wrdreg $0xFFFFFFFF  }
0xc1: {  	_ =	task.clear_ibuf [dreg:s6], $0x2FFFF;
	_ =	strace $0x9FFFFFFF  }
0xc2: {  	(tm) =	ssettm $0x7FFFFFFF  }
0xc3: {  	_ =	shalt  }
tec
execute0_lowered:
.L_overlay_start_1:
0x0: {  	(tag) =	ssettag $0x1  }
0x1: {  	s3 =	rddreg [dreg:$0x0]  }
0x2: {  	s5 =	rddreg [dreg:$0x1];
	s2 =	stileid.u32  }
0x3: {  	s1 =	rddreg [dreg:$0x2];
	s4 =	simm.s32 $0x0;
	s6 =	sshll.u32 s2, $0x7  }
0x4: {  	[smem:$0x7FF] =	sst s4;
	s7 =	sadd.s32 s6, s3  }
0x5: {  	s0 =	rddreg [dreg:$0x3];
	_ =	strace $0x80000047;
	s7 =	sadd.s32 $0x1000, s7  }
0x6: {  	[tilespmem:s4], [sflag:$0x1] =	stream.linear.gather [hbm4b:s7+s4], $0x400, $0x38;
	[tilespmem:$0x1080] =	vst v63  }
0x7: {  	s25 =	simm.s32 $0x400;
	s5 =	sadd.s32 s5, s6  }
0x8: {  	v0 =	vimm.f32 $0.0e+00;
	[tilespmem:s25], [sflag:$0x2] =	stream.linear.gather [hbm4b:s5+s4], $0x400, $0x38;
	[tilespmem:$0x1080] =	vst v63  }
0x9: {  	s26 =	simm.s32 $0x1;
	[tilespmem:$0x800] =	vst v0  }
0xa: {  	_ =	swait.ge [sflag:s26], $0x400  }
0xb: {  	[sflag:s26] =	ssyncset.done $0x0  }
0xc: {  	s28 =	simm.s32 $0x2;
	[sflag:s26] =	ssyncadd.s32 $0xFFFFFC00  }
0xd: {  	_ =	swait.ge [sflag:s28], $0x400  }
0xe: {  	[sflag:s28] =	ssyncset.done $0x0  }
0xf: {  	[sflag:s28] =	ssyncadd.s32 $0xFFFFFC00  }
0x10: {  	v63 =	vld [tilespmem:$0x400];
	_ =	sdelay $0x2  }
0x11: {  	v1 =	vld [tilespmem:$0x0];
	_ =	sdelay $0x3  }
0x12: {  	s29 =	simm.s32 $0x800  }
0x13: {  	[tilespmem:v63+s29+$0x0] =	vst.idx.add.f32.msk $0xffff, v1  }
0x14: {  	v0 =	vld [tilespmem:$0x410];
	_ =	sdelay $0x2  }
0x15: {  	v1 =	vld [tilespmem:$0x10];
	_ =	sdelay $0x4  }
0x16: {  	[tilespmem:v0+s29+$0x0] =	vst.idx.add.f32.msk $0xffff, v1  }
0x17: {  	v0 =	vld [tilespmem:$0x420];
	_ =	sdelay $0x2  }
0x18: {  	v1 =	vld [tilespmem:$0x20];
	_ =	sdelay $0x4  }
0x19: {  	[tilespmem:v0+s29+$0x0] =	vst.idx.add.f32.msk $0xffff, v1  }
0x1a: {  	v0 =	vld [tilespmem:$0x430];
	_ =	sdelay $0x2  }
0x1b: {  	v1 =	vld [tilespmem:$0x30];
	_ =	sdelay $0x4  }
0x1c: {  	[tilespmem:v0+s29+$0x0] =	vst.idx.add.f32.msk $0xffff, v1  }
0x1d: {  	v0 =	vld [tilespmem:$0x440];
	_ =	sdelay $0x2  }
0x1e: {  	v1 =	vld [tilespmem:$0x40];
	_ =	sdelay $0x4  }
0x1f: {  	[tilespmem:v0+s29+$0x0] =	vst.idx.add.f32.msk $0xffff, v1  }
0x20: {  	v0 =	vld [tilespmem:$0x450];
	_ =	sdelay $0x2  }
0x21: {  	v1 =	vld [tilespmem:$0x50];
	_ =	sdelay $0x4  }
0x22: {  	[tilespmem:v0+s29+$0x0] =	vst.idx.add.f32.msk $0xffff, v1  }
0x23: {  	v0 =	vld [tilespmem:$0x460];
	_ =	sdelay $0x2  }
0x24: {  	v1 =	vld [tilespmem:$0x60];
	_ =	sdelay $0x4  }
0x25: {  	[tilespmem:v0+s29+$0x0] =	vst.idx.add.f32.msk $0xffff, v1  }
0x26: {  	v0 =	vld [tilespmem:$0x470];
	_ =	sdelay $0x2  }
0x27: {  	v1 =	vld [tilespmem:$0x70];
	_ =	sdelay $0x4  }
0x28: {  	[tilespmem:v0+s29+$0x0] =	vst.idx.add.f32.msk $0xffff, v1  }
0x29: {  	v0 =	vld [tilespmem:$0x480];
	_ =	sdelay $0x2  }
0x2a: {  	v1 =	vld [tilespmem:$0x80];
	_ =	sdelay $0x4  }
0x2b: {  	[tilespmem:v0+s29+$0x0] =	vst.idx.add.f32.msk $0xffff, v1  }
0x2c: {  	v0 =	vld [tilespmem:$0x490];
	_ =	sdelay $0x2  }
0x2d: {  	v1 =	vld [tilespmem:$0x90];
	_ =	sdelay $0x4  }
0x2e: {  	[tilespmem:v0+s29+$0x0] =	vst.idx.add.f32.msk $0xffff, v1  }
0x2f: {  	v0 =	vld [tilespmem:$0x4A0];
	_ =	sdelay $0x2  }
0x30: {  	v1 =	vld [tilespmem:$0xA0];
	_ =	sdelay $0x4  }
0x31: {  	[tilespmem:v0+s29+$0x0] =	vst.idx.add.f32.msk $0xffff, v1  }
0x32: {  	v0 =	vld [tilespmem:$0x4B0];
	_ =	sdelay $0x2  }
0x33: {  	v1 =	vld [tilespmem:$0xB0];
	_ =	sdelay $0x4  }
0x34: {  	[tilespmem:v0+s29+$0x0] =	vst.idx.add.f32.msk $0xffff, v1  }
0x35: {  	v0 =	vld [tilespmem:$0x4C0];
	_ =	sdelay $0x2  }
0x36: {  	v1 =	vld [tilespmem:$0xC0];
	_ =	sdelay $0x4  }
0x37: {  	[tilespmem:v0+s29+$0x0] =	vst.idx.add.f32.msk $0xffff, v1  }
0x38: {  	v0 =	vld [tilespmem:$0x4D0];
	_ =	sdelay $0x2  }
0x39: {  	v1 =	vld [tilespmem:$0xD0];
	_ =	sdelay $0x4  }
0x3a: {  	[tilespmem:v0+s29+$0x0] =	vst.idx.add.f32.msk $0xffff, v1  }
0x3b: {  	v0 =	vld [tilespmem:$0x4E0];
	_ =	sdelay $0x2  }
0x3c: {  	v1 =	vld [tilespmem:$0xE0];
	_ =	sdelay $0x4  }
0x3d: {  	[tilespmem:v0+s29+$0x0] =	vst.idx.add.f32.msk $0xffff, v1  }
0x3e: {  	v0 =	vld [tilespmem:$0x4F0];
	_ =	sdelay $0x2  }
0x3f: {  	v1 =	vld [tilespmem:$0xF0];
	_ =	sdelay $0x4  }
0x40: {  	[tilespmem:v0+s29+$0x0] =	vst.idx.add.f32.msk $0xffff, v1  }
0x41: {  	v0 =	vld [tilespmem:$0x500];
	_ =	sdelay $0x2  }
0x42: {  	v1 =	vld [tilespmem:$0x100];
	_ =	sdelay $0x4  }
0x43: {  	[tilespmem:v0+s29+$0x0] =	vst.idx.add.f32.msk $0xffff, v1  }
0x44: {  	v0 =	vld [tilespmem:$0x510];
	_ =	sdelay $0x2  }
0x45: {  	v1 =	vld [tilespmem:$0x110];
	_ =	sdelay $0x4  }
0x46: {  	[tilespmem:v0+s29+$0x0] =	vst.idx.add.f32.msk $0xffff, v1  }
0x47: {  	v0 =	vld [tilespmem:$0x520];
	_ =	sdelay $0x2  }
0x48: {  	v1 =	vld [tilespmem:$0x120];
	_ =	sdelay $0x4  }
0x49: {  	[tilespmem:v0+s29+$0x0] =	vst.idx.add.f32.msk $0xffff, v1  }
0x4a: {  	v0 =	vld [tilespmem:$0x530];
	_ =	sdelay $0x2  }
0x4b: {  	v1 =	vld [tilespmem:$0x130];
	_ =	sdelay $0x4  }
0x4c: {  	[tilespmem:v0+s29+$0x0] =	vst.idx.add.f32.msk $0xffff, v1  }
0x4d: {  	v0 =	vld [tilespmem:$0x540];
	_ =	sdelay $0x2  }
0x4e: {  	v1 =	vld [tilespmem:$0x140];
	_ =	sdelay $0x4  }
0x4f: {  	[tilespmem:v0+s29+$0x0] =	vst.idx.add.f32.msk $0xffff, v1  }
0x50: {  	v0 =	vld [tilespmem:$0x550];
	_ =	sdelay $0x2  }
0x51: {  	v1 =	vld [tilespmem:$0x150];
	_ =	sdelay $0x4  }
0x52: {  	[tilespmem:v0+s29+$0x0] =	vst.idx.add.f32.msk $0xffff, v1  }
0x53: {  	v0 =	vld [tilespmem:$0x560];
	_ =	sdelay $0x2  }
0x54: {  	v1 =	vld [tilespmem:$0x160];
	_ =	sdelay $0x4  }
0x55: {  	[tilespmem:v0+s29+$0x0] =	vst.idx.add.f32.msk $0xffff, v1  }
0x56: {  	v0 =	vld [tilespmem:$0x570];
	_ =	sdelay $0x2  }
0x57: {  	v1 =	vld [tilespmem:$0x170];
	_ =	sdelay $0x4  }
0x58: {  	[tilespmem:v0+s29+$0x0] =	vst.idx.add.f32.msk $0xffff, v1  }
0x59: {  	v0 =	vld [tilespmem:$0x580];
	_ =	sdelay $0x2  }
0x5a: {  	v1 =	vld [tilespmem:$0x180];
	_ =	sdelay $0x4  }
0x5b: {  	[tilespmem:v0+s29+$0x0] =	vst.idx.add.f32.msk $0xffff, v1  }
0x5c: {  	v0 =	vld [tilespmem:$0x590];
	_ =	sdelay $0x2  }
0x5d: {  	v1 =	vld [tilespmem:$0x190];
	_ =	sdelay $0x4  }
0x5e: {  	[tilespmem:v0+s29+$0x0] =	vst.idx.add.f32.msk $0xffff, v1  }
0x5f: {  	v0 =	vld [tilespmem:$0x5A0];
	_ =	sdelay $0x2  }
0x60: {  	v1 =	vld [tilespmem:$0x1A0];
	_ =	sdelay $0x4  }
0x61: {  	[tilespmem:v0+s29+$0x0] =	vst.idx.add.f32.msk $0xffff, v1  }
0x62: {  	v0 =	vld [tilespmem:$0x5B0];
	_ =	sdelay $0x2  }
0x63: {  	v1 =	vld [tilespmem:$0x1B0];
	_ =	sdelay $0x4  }
0x64: {  	[tilespmem:v0+s29+$0x0] =	vst.idx.add.f32.msk $0xffff, v1  }
0x65: {  	v0 =	vld [tilespmem:$0x5C0];
	_ =	sdelay $0x2  }
0x66: {  	v1 =	vld [tilespmem:$0x1C0];
	_ =	sdelay $0x4  }
0x67: {  	[tilespmem:v0+s29+$0x0] =	vst.idx.add.f32.msk $0xffff, v1  }
0x68: {  	v0 =	vld [tilespmem:$0x5D0];
	_ =	sdelay $0x2  }
0x69: {  	v1 =	vld [tilespmem:$0x1D0];
	_ =	sdelay $0x4  }
0x6a: {  	[tilespmem:v0+s29+$0x0] =	vst.idx.add.f32.msk $0xffff, v1  }
0x6b: {  	v0 =	vld [tilespmem:$0x5E0];
	_ =	sdelay $0x2  }
0x6c: {  	v1 =	vld [tilespmem:$0x1E0];
	_ =	sdelay $0x4  }
0x6d: {  	[tilespmem:v0+s29+$0x0] =	vst.idx.add.f32.msk $0xffff, v1  }
0x6e: {  	v0 =	vld [tilespmem:$0x5F0];
	_ =	sdelay $0x2  }
0x6f: {  	v1 =	vld [tilespmem:$0x1F0];
	_ =	sdelay $0x4  }
0x70: {  	[tilespmem:v0+s29+$0x0] =	vst.idx.add.f32.msk $0xffff, v1  }
0x71: {  	v0 =	vld [tilespmem:$0x600];
	_ =	sdelay $0x2  }
0x72: {  	v1 =	vld [tilespmem:$0x200];
	_ =	sdelay $0x4  }
0x73: {  	[tilespmem:v0+s29+$0x0] =	vst.idx.add.f32.msk $0xffff, v1  }
0x74: {  	v0 =	vld [tilespmem:$0x610];
	_ =	sdelay $0x2  }
0x75: {  	v1 =	vld [tilespmem:$0x210];
	_ =	sdelay $0x4  }
0x76: {  	[tilespmem:v0+s29+$0x0] =	vst.idx.add.f32.msk $0xffff, v1  }
0x77: {  	v0 =	vld [tilespmem:$0x620];
	_ =	sdelay $0x2  }
0x78: {  	v1 =	vld [tilespmem:$0x220];
	_ =	sdelay $0x4  }
0x79: {  	[tilespmem:v0+s29+$0x0] =	vst.idx.add.f32.msk $0xffff, v1  }
0x7a: {  	v0 =	vld [tilespmem:$0x630];
	_ =	sdelay $0x2  }
0x7b: {  	v1 =	vld [tilespmem:$0x230];
	_ =	sdelay $0x4  }
0x7c: {  	[tilespmem:v0+s29+$0x0] =	vst.idx.add.f32.msk $0xffff, v1  }
0x7d: {  	v0 =	vld [tilespmem:$0x640];
	_ =	sdelay $0x2  }
0x7e: {  	v1 =	vld [tilespmem:$0x240];
	_ =	sdelay $0x4  }
0x7f: {  	[tilespmem:v0+s29+$0x0] =	vst.idx.add.f32.msk $0xffff, v1  }
0x80: {  	v0 =	vld [tilespmem:$0x650];
	_ =	sdelay $0x2  }
0x81: {  	v1 =	vld [tilespmem:$0x250];
	_ =	sdelay $0x4  }
0x82: {  	[tilespmem:v0+s29+$0x0] =	vst.idx.add.f32.msk $0xffff, v1  }
0x83: {  	v0 =	vld [tilespmem:$0x660];
	_ =	sdelay $0x2  }
0x84: {  	v1 =	vld [tilespmem:$0x260];
	_ =	sdelay $0x4  }
0x85: {  	[tilespmem:v0+s29+$0x0] =	vst.idx.add.f32.msk $0xffff, v1  }
0x86: {  	v0 =	vld [tilespmem:$0x670];
	_ =	sdelay $0x2  }
0x87: {  	v1 =	vld [tilespmem:$0x270];
	_ =	sdelay $0x4  }
0x88: {  	[tilespmem:v0+s29+$0x0] =	vst.idx.add.f32.msk $0xffff, v1  }
0x89: {  	v0 =	vld [tilespmem:$0x680];
	_ =	sdelay $0x2  }
0x8a: {  	v1 =	vld [tilespmem:$0x280];
	_ =	sdelay $0x4  }
0x8b: {  	[tilespmem:v0+s29+$0x0] =	vst.idx.add.f32.msk $0xffff, v1  }
0x8c: {  	v0 =	vld [tilespmem:$0x690];
	_ =	sdelay $0x2  }
0x8d: {  	v1 =	vld [tilespmem:$0x290];
	_ =	sdelay $0x4  }
0x8e: {  	[tilespmem:v0+s29+$0x0] =	vst.idx.add.f32.msk $0xffff, v1  }
0x8f: {  	v0 =	vld [tilespmem:$0x6A0];
	_ =	sdelay $0x2  }
0x90: {  	v1 =	vld [tilespmem:$0x2A0];
	_ =	sdelay $0x4  }
0x91: {  	[tilespmem:v0+s29+$0x0] =	vst.idx.add.f32.msk $0xffff, v1  }
0x92: {  	v0 =	vld [tilespmem:$0x6B0];
	_ =	sdelay $0x2  }
0x93: {  	v1 =	vld [tilespmem:$0x2B0];
	_ =	sdelay $0x4  }
0x94: {  	[tilespmem:v0+s29+$0x0] =	vst.idx.add.f32.msk $0xffff, v1  }
0x95: {  	v0 =	vld [tilespmem:$0x6C0];
	_ =	sdelay $0x2  }
0x96: {  	v1 =	vld [tilespmem:$0x2C0];
	_ =	sdelay $0x4  }
0x97: {  	[tilespmem:v0+s29+$0x0] =	vst.idx.add.f32.msk $0xffff, v1  }
0x98: {  	v0 =	vld [tilespmem:$0x6D0];
	_ =	sdelay $0x2  }
0x99: {  	v1 =	vld [tilespmem:$0x2D0];
	_ =	sdelay $0x4  }
0x9a: {  	[tilespmem:v0+s29+$0x0] =	vst.idx.add.f32.msk $0xffff, v1  }
0x9b: {  	v0 =	vld [tilespmem:$0x6E0];
	_ =	sdelay $0x2  }
0x9c: {  	v1 =	vld [tilespmem:$0x2E0];
	_ =	sdelay $0x4  }
0x9d: {  	[tilespmem:v0+s29+$0x0] =	vst.idx.add.f32.msk $0xffff, v1  }
0x9e: {  	v0 =	vld [tilespmem:$0x6F0];
	_ =	sdelay $0x2  }
0x9f: {  	v1 =	vld [tilespmem:$0x2F0];
	_ =	sdelay $0x4  }
0xa0: {  	[tilespmem:v0+s29+$0x0] =	vst.idx.add.f32.msk $0xffff, v1  }
0xa1: {  	v0 =	vld [tilespmem:$0x700];
	_ =	sdelay $0x2  }
0xa2: {  	v1 =	vld [tilespmem:$0x300];
	_ =	sdelay $0x4  }
0xa3: {  	[tilespmem:v0+s29+$0x0] =	vst.idx.add.f32.msk $0xffff, v1  }
0xa4: {  	v0 =	vld [tilespmem:$0x710];
	_ =	sdelay $0x2  }
0xa5: {  	v1 =	vld [tilespmem:$0x310];
	_ =	sdelay $0x4  }
0xa6: {  	[tilespmem:v0+s29+$0x0] =	vst.idx.add.f32.msk $0xffff, v1  }
0xa7: {  	v0 =	vld [tilespmem:$0x720];
	_ =	sdelay $0x2  }
0xa8: {  	v1 =	vld [tilespmem:$0x320];
	_ =	sdelay $0x4  }
0xa9: {  	[tilespmem:v0+s29+$0x0] =	vst.idx.add.f32.msk $0xffff, v1  }
0xaa: {  	v0 =	vld [tilespmem:$0x730];
	_ =	sdelay $0x2  }
0xab: {  	v1 =	vld [tilespmem:$0x330];
	_ =	sdelay $0x4  }
0xac: {  	[tilespmem:v0+s29+$0x0] =	vst.idx.add.f32.msk $0xffff, v1  }
0xad: {  	v0 =	vld [tilespmem:$0x740];
	_ =	sdelay $0x2  }
0xae: {  	v1 =	vld [tilespmem:$0x340];
	_ =	sdelay $0x4  }
0xaf: {  	[tilespmem:v0+s29+$0x0] =	vst.idx.add.f32.msk $0xffff, v1  }
0xb0: {  	v0 =	vld [tilespmem:$0x750];
	_ =	sdelay $0x2  }
0xb1: {  	v1 =	vld [tilespmem:$0x350];
	_ =	sdelay $0x4  }
0xb2: {  	[tilespmem:v0+s29+$0x0] =	vst.idx.add.f32.msk $0xffff, v1  }
0xb3: {  	v0 =	vld [tilespmem:$0x760];
	_ =	sdelay $0x2  }
0xb4: {  	v1 =	vld [tilespmem:$0x360];
	_ =	sdelay $0x4  }
0xb5: {  	[tilespmem:v0+s29+$0x0] =	vst.idx.add.f32.msk $0xffff, v1  }
0xb6: {  	v0 =	vld [tilespmem:$0x770];
	_ =	sdelay $0x2  }
0xb7: {  	v1 =	vld [tilespmem:$0x370];
	_ =	sdelay $0x4  }
0xb8: {  	[tilespmem:v0+s29+$0x0] =	vst.idx.add.f32.msk $0xffff, v1  }
0xb9: {  	v0 =	vld [tilespmem:$0x780];
	_ =	sdelay $0x2  }
0xba: {  	v1 =	vld [tilespmem:$0x380];
	_ =	sdelay $0x4  }
0xbb: {  	[tilespmem:v0+s29+$0x0] =	vst.idx.add.f32.msk $0xffff, v1  }
0xbc: {  	v0 =	vld [tilespmem:$0x790];
	_ =	sdelay $0x2  }
0xbd: {  	v1 =	vld [tilespmem:$0x390];
	_ =	sdelay $0x4  }
0xbe: {  	[tilespmem:v0+s29+$0x0] =	vst.idx.add.f32.msk $0xffff, v1  }
0xbf: {  	v0 =	vld [tilespmem:$0x7A0];
	_ =	sdelay $0x2  }
0xc0: {  	v1 =	vld [tilespmem:$0x3A0];
	_ =	sdelay $0x4  }
0xc1: {  	[tilespmem:v0+s29+$0x0] =	vst.idx.add.f32.msk $0xffff, v1  }
0xc2: {  	v0 =	vld [tilespmem:$0x7B0];
	_ =	sdelay $0x2  }
0xc3: {  	v1 =	vld [tilespmem:$0x3B0];
	_ =	sdelay $0x4  }
0xc4: {  	[tilespmem:v0+s29+$0x0] =	vst.idx.add.f32.msk $0xffff, v1  }
0xc5: {  	v0 =	vld [tilespmem:$0x7C0];
	_ =	sdelay $0x2  }
0xc6: {  	v1 =	vld [tilespmem:$0x3C0];
	_ =	sdelay $0x4  }
0xc7: {  	[tilespmem:v0+s29+$0x0] =	vst.idx.add.f32.msk $0xffff, v1  }
0xc8: {  	v0 =	vld [tilespmem:$0x7D0];
	_ =	sdelay $0x2  }
0xc9: {  	v1 =	vld [tilespmem:$0x3D0];
	_ =	sdelay $0x4  }
0xca: {  	[tilespmem:v0+s29+$0x0] =	vst.idx.add.f32.msk $0xffff, v1  }
0xcb: {  	v0 =	vld [tilespmem:$0x7E0];
	_ =	sdelay $0x2  }
0xcc: {  	v1 =	vld [tilespmem:$0x3E0];
	_ =	sdelay $0x4  }
0xcd: {  	[tilespmem:v0+s29+$0x0] =	vst.idx.add.f32.msk $0xffff, v1  }
0xce: {  	v0 =	vld [tilespmem:$0x7F0];
	_ =	sdelay $0x2  }
0xcf: {  	v1 =	vld [tilespmem:$0x3F0];
	_ =	sdelay $0x3  }
0xd0: {  	s30 =	sshll.u32 s2, $0x4;
	s3 =	sadd.s32 $0x1800, s3  }
0xd1: {  	s31 =	simm.s32 $0x3;
	s6 =	sadd.s32 s3, s30;
	[tilespmem:v0+s29+$0x0] =	vst.idx.add.f32.msk $0xffff, v1  }
0xd2: {  	[hbm4b:s6+s4] =	stream.linear.scatter [tilespmem:s29], [sflag:$0x3], $0x80, $0x38;
	[tilespmem:$0x1080] =	vst v63  }
0xd3: {  	_ =	swait.ge [sflag:s31], $0x80  }
0xd4: {  	[sflag:s31] =	ssyncset.done $0x0  }
0xd5: {  	[sflag:s31] =	ssyncadd.s32 $0xFFFFFF80  }
0xd6: {  	p0 =	sne.s32 s2, $0x0;
	[bflag:$0x0] =	sbarrier.arrive $0xFFFF  }
0xd7: {  	_ =	sfence.sel @p0 $0x180000  }
0xd8: {  	[bflag:$0x0] =	sbarrier.arrive @p0 $0xFFFF  }
0xd9: {  	_ =	strace @p0 $0x90000047  }
0xda: {  	s2 =	simm.s32 @!p0 $0x0;
	s4 =	simm.s32 @!p0 $0x880;
	[bflag:$0x2] =	sbarrier.arrive @p0 $0xFFFF  }
0xdb: {  	[tilespmem:s4], [sflag:$0x3] =	stream.linear.gather @!p0 [hbm4b:s3+s2], $0x800, $0x38;
	[tilespmem:$0x1080] =	vst v63  }
0xdc: {  	s3 =	simm.s32 @!p0 $0x3  }
0xdd: {  	_ =	swait.ge @!p0 [sflag:s3], $0x800  }
0xde: {  	[sflag:s3] =	ssyncset.done @!p0 $0x0  }
0xdf: {  	[sflag:s3] =	ssyncadd.s32 @!p0 $0xFFFFF800  }
0xe0: {  	v0 =	vld @!p0 [tilespmem:$0x880]  }
0xe1: {  	v1 =	vld @!p0 [tilespmem:$0x900];
	_ =	sdelay $0x1  }
0xe2: {  	v2 =	vld @!p0 [tilespmem:$0x980];
	_ =	sdelay $0x1  }
0xe3: {  	v3 =	vld @!p0 [tilespmem:$0xA00]  }
0xe4: {  	v0 =	vadd.f32 @!p0 v1, v0  }
0xe5: {  	v1 =	vld @!p0 [tilespmem:$0xA80]  }
0xe6: {  	v0 =	vadd.f32 @!p0 v2, v0  }
0xe7: {  	v2 =	vld @!p0 [tilespmem:$0xB00]  }
0xe8: {  	v0 =	vadd.f32 @!p0 v3, v0  }
0xe9: {  	v3 =	vld @!p0 [tilespmem:$0xB80]  }
0xea: {  	v0 =	vadd.f32 @!p0 v1, v0  }
0xeb: {  	v1 =	vld @!p0 [tilespmem:$0xC00]  }
0xec: {  	v0 =	vadd.f32 @!p0 v2, v0  }
0xed: {  	v2 =	vld @!p0 [tilespmem:$0xC80]  }
0xee: {  	v0 =	vadd.f32 @!p0 v3, v0  }
0xef: {  	v3 =	vld @!p0 [tilespmem:$0xD00]  }
0xf0: {  	v0 =	vadd.f32 @!p0 v1, v0  }
0xf1: {  	v1 =	vld @!p0 [tilespmem:$0xD80]  }
0xf2: {  	v0 =	vadd.f32 @!p0 v2, v0  }
0xf3: {  	v2 =	vld @!p0 [tilespmem:$0xE00]  }
0xf4: {  	v0 =	vadd.f32 @!p0 v3, v0  }
0xf5: {  	v3 =	vld @!p0 [tilespmem:$0xE80]  }
0xf6: {  	v0 =	vadd.f32 @!p0 v1, v0  }
0xf7: {  	v1 =	vld @!p0 [tilespmem:$0xF00]  }
0xf8: {  	v0 =	vadd.f32 @!p0 v2, v0  }
0xf9: {  	v2 =	vld @!p0 [tilespmem:$0xF80]  }
0xfa: {  	v0 =	vadd.f32 @!p0 v3, v0  }
0xfb: {  	v3 =	vld @!p0 [tilespmem:$0x1000]  }
0xfc: {  	v0 =	vadd.f32 @!p0 v1, v0;
	_ =	sdelay $0x1  }
0xfd: {  	v0 =	vadd.f32 @!p0 v2, v0;
	_ =	sdelay $0x1  }
0xfe: {  	v0 =	vadd.f32 @!p0 v3, v0;
	_ =	sdelay $0x1  }
0xff: {  	s4 =	simm.s32 @!p0 $0x800;
	[tilespmem:$0x800] =	vst @!p0 v0  }
0x100: {  	[hbm4b:s1+s2] =	stream.linear.scatter @!p0 [tilespmem:s4], [sflag:$0x3], $0x80, $0x38;
	[tilespmem:$0x1080] =	vst v63  }
0x101: {  	_ =	swait.ge @!p0 [sflag:s3], $0x80  }
0x102: {  	[sflag:s3] =	ssyncset.done @!p0 $0x0  }
0x103: {  	[sflag:s3] =	ssyncadd.s32 @!p0 $0xFFFFFF80  }
0x104: {  	_ =	sfence.sel @!p0 $0x180000  }
0x105: {  	[bflag:$0x0] =	sbarrier.arrive @!p0 $0xFFFF  }
0x106: {  	_ =	strace @!p0 $0x90000047  }
0x107: {  	s0 =	sadd.s32 @!p0 $0x100000, s0;
	[bflag:$0x2] =	sbarrier.arrive @!p0 $0xFFFF  }
0x108: {  	[sflag:s0] =	ssyncadd.tile.s32 @!p0 $0x1;
	_ =	shalt  }
.Lfunc_end2:
_tile_overlayer_lowered:
.L_overlay_start_2:
0x109: {  	(tag) =	ssettag $0x2  }
0x10a: {  	s0 =	rddreg [dreg:$0x0];
	s2 =	stileid.u32  }
0x10b: {  	s1 =	rddreg [dreg:$0x1];
	p0 =	sne.s32 s2, $0x0  }
0x10c: {  	s3 =	rddreg [dreg:$0x2];
	[bflag:$0x3] =	sbarrier.arrive $0xFFFF;
	s2 =	simm.s32 @!p0 $0x1C03  }
0x10d: {  	[timem:s3], [sflag:s2] =	dma.local @!p0 [hbm:s0], s1  }
0x10e: {  	s0 =	simm.s32 @!p0 $0x3  }
0x10f: {  	_ =	swait.ge @!p0 [sflag:s0], s1  }
0x110: {  	s1 =	ssub.s32 @!p0 $0x0, s1;
	[sflag:s0] =	ssyncset.done @!p0 $0x0  }
0x111: {  	[sflag:s0] =	ssyncadd.s32 @!p0 s1  }
0x112: {  	[bflag:$0x3] =	sbarrier.arrive $0xFFFF  }
0x113: {  	_ =	shalt  }

</sc_bundles>
